<compile_context>
chip_gen: v7x
topology: tpu7x:2x2x1
jax: 0.10.2.dev20260603
libtpu: 0.0.44.dev20260713+nightly
codegen_flags: <defaults>
</compile_context>

<pallas_src>
import functools

import jax
import jax.numpy as jnp
from jax import lax
from jax.experimental import pallas as pl
from jax.experimental.pallas import tpu as pltpu
from jax.experimental.pallas import tpu_sc as plsc

N = 10000
D = 128
E = 320000
NC, NS = 2, 16
ROWS_PER_TILE = 640
ROWS_PAD = NS * ROWS_PER_TILE
CHUNK = 125
CH_PER_TILE = 80
HALF = CH_PER_TILE // 2



def _mm_body(x_ref, w_ref, o_ref):
    o_ref[...] = jnp.dot(x_ref[...], w_ref[...],
                         preferred_element_type=jnp.float32)


def _matmul(x, w):
    m = x.shape[0]
    bm = 2000
    return pl.pallas_call(
        _mm_body,
        grid=(m // bm,),
        in_specs=[pl.BlockSpec((bm, D), lambda i: (i, 0)),
                  pl.BlockSpec((D, D), lambda i: (0, 0))],
        out_specs=pl.BlockSpec((bm, D), lambda i: (i, 0)),
        out_shape=jax.ShapeDtypeStruct((m, D), jnp.float32),
    )(x, w)


def _fused_body(p0_ref, p1_ref, b_ref, w_ref, o_ref):
    h = jnp.maximum(p0_ref[0] + p1_ref[0] + b_ref[0:1, :], 0.0)
    o_ref[...] = jnp.dot(h, w_ref[...], preferred_element_type=jnp.float32)


def _fused_relu_mm(p, b, w):
    m = p.shape[1]
    bm = 1280
    return pl.pallas_call(
        _fused_body,
        grid=(m // bm,),
        in_specs=[pl.BlockSpec((1, bm, D), lambda i: (0, i, 0)),
                  pl.BlockSpec((1, bm, D), lambda i: (1, i, 0)),
                  pl.BlockSpec((8, D), lambda i: (0, 0)),
                  pl.BlockSpec((D, D), lambda i: (0, 0))],
        out_specs=pl.BlockSpec((bm, D), lambda i: (i, 0)),
        out_shape=jax.ShapeDtypeStruct((m, D), jnp.float32),
    )(p, p, b, w)


def _add_body(p0_ref, p1_ref, b_ref, o_ref):
    o_ref[...] = p0_ref[0] + p1_ref[0] + b_ref[0:1, :]


def _final_add(p, b):
    bm = 1000
    return pl.pallas_call(
        _add_body,
        grid=(N // bm,),
        in_specs=[pl.BlockSpec((1, bm, D), lambda i: (0, i, 0)),
                  pl.BlockSpec((1, bm, D), lambda i: (1, i, 0)),
                  pl.BlockSpec((8, D), lambda i: (0, 0))],
        out_specs=pl.BlockSpec((bm, D), lambda i: (i, 0)),
        out_shape=jax.ShapeDtypeStruct((N, D), jnp.float32),
    )(p, p, b)



def _make_edge_scatter():
    mesh = plsc.VectorSubcoreMesh(core_axis_name="c", subcore_axis_name="s")

    @functools.partial(
        pl.kernel,
        out_type=jax.ShapeDtypeStruct((NC, ROWS_PAD, D), jnp.float32),
        mesh=mesh,
        scratch_types=[
            pltpu.VMEM((HALF, CHUNK), jnp.int32),
            pltpu.VMEM((HALF, CHUNK), jnp.int32),
            pltpu.VMEM((CHUNK, D), jnp.float32),
            pltpu.VMEM((CHUNK, D), jnp.float32),
            pltpu.VMEM_SHARED((ROWS_PAD, D), jnp.float32),
            pltpu.SemaphoreType.DMA,
            pltpu.SemaphoreType.DMA,
        ],
    )
    def edge_scatter(y_hbm, src_hbm, dst_hbm, zeros_hbm, out_hbm,
                     src_v, dst_v, rows_a, rows_b, acc_sh, gsem, ssem):
        c = lax.axis_index("c")
        s = lax.axis_index("s")
        stripe = pl.ds(s * ROWS_PER_TILE, ROWS_PER_TILE)
        pltpu.sync_copy(zeros_hbm, acc_sh.at[stripe])

        def gather(j, buf):
            pltpu.async_copy(y_hbm.at[src_v.at[j]], buf, gsem)

        def gather_wait(j, buf):
            pltpu.make_async_copy(y_hbm.at[src_v.at[j]], buf, gsem).wait()

        def scatter(j, buf):
            pltpu.async_copy(buf, acc_sh.at[dst_v.at[j]], ssem, add=True)

        def scatter_wait(j, buf):
            pltpu.make_async_copy(buf, acc_sh.at[dst_v.at[j]], ssem).wait()

        for p in range(2):
            pltpu.sync_copy(src_hbm.at[c, s, pl.ds(p * HALF, HALF)], src_v)
            pltpu.sync_copy(dst_hbm.at[c, s, pl.ds(p * HALF, HALF)], dst_v)
            if p == 0:
                plsc.subcore_barrier()

            gather(0, rows_a)
            gather_wait(0, rows_a)
            scatter(0, rows_a)
            gather(1, rows_b)
            gather_wait(1, rows_b)
            scatter(1, rows_b)
            scatter_wait(0, rows_a)
            gather(2, rows_a)

            @pl.loop(2, HALF - 2, step=2)
            def _(j):
                gather_wait(j, rows_a)
                scatter(j, rows_a)
                scatter_wait(j - 1, rows_b)
                gather(j + 1, rows_b)
                gather_wait(j + 1, rows_b)
                scatter(j + 1, rows_b)
                scatter_wait(j, rows_a)
                gather(j + 2, rows_a)

            gather_wait(HALF - 2, rows_a)
            scatter(HALF - 2, rows_a)
            scatter_wait(HALF - 3, rows_b)
            gather(HALF - 1, rows_b)
            gather_wait(HALF - 1, rows_b)
            scatter(HALF - 1, rows_b)
            scatter_wait(HALF - 2, rows_a)
            scatter_wait(HALF - 1, rows_b)

        plsc.subcore_barrier()
        pltpu.sync_copy(acc_sh.at[stripe], out_hbm.at[c, stripe])

    return edge_scatter


_edge_scatter = _make_edge_scatter()



def kernel(x, edge_index, W1, b1, W2, b2):
    src_p = edge_index[0].astype(jnp.int32).reshape(NC, NS, CH_PER_TILE, CHUNK)
    dst_p = edge_index[1].astype(jnp.int32).reshape(NC, NS, CH_PER_TILE, CHUNK)
    zeros_tile = jnp.zeros((ROWS_PER_TILE, D), jnp.float32)
    b1_t = jnp.broadcast_to(b1.reshape(1, D), (8, D))
    b2_t = jnp.broadcast_to(b2.reshape(1, D), (8, D))

    y1 = _matmul(x, W1)
    p1 = _edge_scatter(y1, src_p, dst_p, zeros_tile)
    y2 = _fused_relu_mm(p1, b1_t, W2)
    p2 = _edge_scatter(y2, src_p, dst_p, zeros_tile)
    return _final_add(p2, b2_t)

# --- scband reference (transcript-rebuilt; emitter-appended) ---
"""Pipeline reference for scband-gcn-55817394979014 (READ-ONLY COPY).

The authoritative reference and input builder live on the scoring server;
editing this copy changes nothing except your own understanding.
"""

import jax, jax.numpy as jnp
import numpy as np

N_NODES = 10000
N_EDGES = 320000
D_IN = 128
D_HID = 128
D_OUT = 128


def setup_inputs(seed: int = 0) -> dict:
    key = jax.random.key(seed)
    k1, k2, k3, k4, k5, k6 = jax.random.split(key, 6)
    x = jax.random.normal(k1, (N_NODES, D_IN), dtype=jnp.float32)
    edge_index = jax.random.randint(k2, (2, N_EDGES), 0, N_NODES, dtype=jnp.int64 if jax.config.jax_enable_x64 else jnp.int32)
    # linear layers (torch nn.Linear: y = x @ W.T + b); store as [in, out] for x @ W
    lim1 = 1.0 / np.sqrt(D_IN)
    W1 = jax.random.uniform(k3, (D_IN, D_HID), minval=-lim1, maxval=lim1, dtype=jnp.float32)
    b1 = jax.random.uniform(k4, (D_HID,), minval=-lim1, maxval=lim1, dtype=jnp.float32)
    lim2 = 1.0 / np.sqrt(D_HID)
    W2 = jax.random.uniform(k5, (D_HID, D_OUT), minval=-lim2, maxval=lim2, dtype=jnp.float32)
    b2 = jax.random.uniform(k6, (D_OUT,), minval=-lim2, maxval=lim2, dtype=jnp.float32)
    return {"x": x, "edge_index": edge_index, "W1": W1, "b1": b1, "W2": W2, "b2": b2}


def _gcn_layer(h, src, dst, W, b):
    # gcn_message: msg = h[src]; gcn_reduce: sum over incoming edges; then Linear
    msg = jnp.take(h, src, axis=0)
    agg = jax.ops.segment_sum(msg, dst, num_segments=N_NODES)
    return agg @ W + b


def reference(x, edge_index, W1, b1, W2, b2):
    src = edge_index[0]
    dst = edge_index[1]
    h = _gcn_layer(x, src, dst, W1, b1)
    h = jax.nn.relu(h)
    out = _gcn_layer(h, src, dst, W2, b2)
    return out

if __name__ == "__main__":
    import jax
    _d = setup_inputs()
    print(jax.jit(kernel)(*tuple(_d.values())))

</pallas_src>

<mosaic_0001>
#map = affine_map<(d0, d1) -> (0, 0)>
#map1 = affine_map<(d0, d1) -> (0, 0, 0, 0)>
#map2 = affine_map<(d0, d1) -> (0, 0, 0)>
module attributes {stable_mosaic.version = 14 : i64} {
  func.func @edge_scatter(%arg0: i32, %arg1: i32, %arg2: memref<10240x128xf32, #tpu.memory_space<hbm>>, %arg3: memref<2x16x80x125xi32, #tpu.memory_space<hbm>>, %arg4: memref<2x16x80x125xi32, #tpu.memory_space<hbm>>, %arg5: memref<640x128xf32, #tpu.memory_space<hbm>>, %arg6: memref<2x10240x128xf32, #tpu.memory_space<hbm>>, %arg7: memref<40x125xi32, #tpu.memory_space<vmem>>, %arg8: memref<40x125xi32, #tpu.memory_space<vmem>>, %arg9: memref<125x128xf32, #tpu.memory_space<vmem>>, %arg10: memref<125x128xf32, #tpu.memory_space<vmem>>, %arg11: memref<10240x128xf32, #tpu.memory_space<vmem_shared>>, %arg12: memref<!tpu.dma_semaphore, #tpu.memory_space<semaphore_mem>>, %arg13: memref<!tpu.dma_semaphore, #tpu.memory_space<semaphore_mem>>) attributes {dimension_semantics = [#tpu.dimension_semantics<core_parallel>, #tpu.dimension_semantics<subcore_parallel>], iteration_bounds = array<i64: 2, 16>, scalar_prefetch = 0 : i64, scratch_operands = 7 : i64, tpu.core_type = #tpu.core_type<sc_vector_subcore>, window_params = [{transform_indices = #map}, {transform_indices = #map1}, {transform_indices = #map1}, {transform_indices = #map}, {transform_indices = #map2}]} {
    %mul3A = arith.constant 640 : i32
    %mul3A_0 = arith.muli %arg1, %mul3A : i32
    "tpu.region"() ({
      %run_scoped3A = tpu.sem_alloc : memref<!tpu.dma_semaphore, #tpu.memory_space<semaphore_mem>>
      %dma_start3A_233 = arith.constant 0 : i32
      %dma_start3A_234 = tpu.memref_slice %arg11[%mul3A_0, %dma_start3A_233] : memref<10240x128xf32, #tpu.memory_space<vmem_shared>> -> memref<640x128xf32, #tpu.memory_space<vmem_shared>>
      tpu.enqueue_dma source(%arg5 : memref<640x128xf32, #tpu.memory_space<hbm>>) target(%dma_start3A_234 : memref<640x128xf32, #tpu.memory_space<vmem_shared>>) target_semaphore(%run_scoped3A : memref<!tpu.dma_semaphore, #tpu.memory_space<semaphore_mem>>)
      %dma_wait3A_235 = arith.constant 0 : i32
      %dma_wait3A_236 = tpu.memref_slice %arg11[%mul3A_0, %dma_wait3A_235] : memref<10240x128xf32, #tpu.memory_space<vmem_shared>> -> memref<640x128xf32, #tpu.memory_space<vmem_shared>>
      tpu.wait_dma2 semaphore(%run_scoped3A : memref<!tpu.dma_semaphore, #tpu.memory_space<semaphore_mem>>) src(%arg5 : memref<640x128xf32, #tpu.memory_space<hbm>>) dst(%dma_wait3A_236 : memref<640x128xf32, #tpu.memory_space<vmem_shared>>)
      tpu.yield
    }) : () -> ()
    "tpu.region"() ({
      %run_scoped3A = tpu.sem_alloc : memref<!tpu.dma_semaphore, #tpu.memory_space<semaphore_mem>>
      %dma_start3A_233 = arith.constant 0 : i32
      %dma_start3A_234 = arith.constant 0 : i32
      %dma_start3A_235 = tpu.memref_slice %arg3[%arg0, %arg1, %dma_start3A_233, %dma_start3A_234] : memref<2x16x80x125xi32, #tpu.memory_space<hbm>> -> memref<1x1x40x125xi32, #tpu.memory_space<hbm>>
      %dma_start3A_236 = tpu.memref_squeeze %dma_start3A_235 : memref<1x1x40x125xi32, #tpu.memory_space<hbm>> -> memref<40x125xi32, #tpu.memory_space<hbm>>
      %dma_start3A_237 = arith.constant 0 : i32
      %dma_start3A_238 = arith.constant 0 : i32
      %dma_start3A_239 = tpu.memref_slice %arg3[%arg0, %arg1, %dma_start3A_237, %dma_start3A_238] : memref<2x16x80x125xi32, #tpu.memory_space<hbm>> -> memref<1x1x40x125xi32, #tpu.memory_space<hbm>>
      %dma_start3A_240 = tpu.memref_squeeze %dma_start3A_239 : memref<1x1x40x125xi32, #tpu.memory_space<hbm>> -> memref<40x125xi32, #tpu.memory_space<hbm>>
      tpu.enqueue_dma source(%dma_start3A_240 : memref<40x125xi32, #tpu.memory_space<hbm>>) target(%arg7 : memref<40x125xi32, #tpu.memory_space<vmem>>) target_semaphore(%run_scoped3A : memref<!tpu.dma_semaphore, #tpu.memory_space<semaphore_mem>>)
      %dma_wait3A_241 = arith.constant 0 : i32
      %dma_wait3A_242 = arith.constant 0 : i32
      %dma_wait3A_243 = tpu.memref_slice %arg3[%arg0, %arg1, %dma_wait3A_241, %dma_wait3A_242] : memref<2x16x80x125xi32, #tpu.memory_space<hbm>> -> memref<1x1x40x125xi32, #tpu.memory_space<hbm>>
      %dma_wait3A_244 = tpu.memref_squeeze %dma_wait3A_243 : memref<1x1x40x125xi32, #tpu.memory_space<hbm>> -> memref<40x125xi32, #tpu.memory_space<hbm>>
      %dma_wait3A_245 = arith.constant 0 : i32
      %dma_wait3A_246 = arith.constant 0 : i32
      %dma_wait3A_247 = tpu.memref_slice %arg3[%arg0, %arg1, %dma_wait3A_245, %dma_wait3A_246] : memref<2x16x80x125xi32, #tpu.memory_space<hbm>> -> memref<1x1x40x125xi32, #tpu.memory_space<hbm>>
      %dma_wait3A_248 = tpu.memref_squeeze %dma_wait3A_247 : memref<1x1x40x125xi32, #tpu.memory_space<hbm>> -> memref<40x125xi32, #tpu.memory_space<hbm>>
      tpu.wait_dma2 semaphore(%run_scoped3A : memref<!tpu.dma_semaphore, #tpu.memory_space<semaphore_mem>>) src(%dma_wait3A_248 : memref<40x125xi32, #tpu.memory_space<hbm>>) dst(%arg7 : memref<40x125xi32, #tpu.memory_space<vmem>>)
      tpu.yield
    }) : () -> ()
    "tpu.region"() ({
      %run_scoped3A = tpu.sem_alloc : memref<!tpu.dma_semaphore, #tpu.memory_space<semaphore_mem>>
      %dma_start3A_233 = arith.constant 0 : i32
      %dma_start3A_234 = arith.constant 0 : i32
      %dma_start3A_235 = tpu.memref_slice %arg4[%arg0, %arg1, %dma_start3A_233, %dma_start3A_234] : memref<2x16x80x125xi32, #tpu.memory_space<hbm>> -> memref<1x1x40x125xi32, #tpu.memory_space<hbm>>
      %dma_start3A_236 = tpu.memref_squeeze %dma_start3A_235 : memref<1x1x40x125xi32, #tpu.memory_space<hbm>> -> memref<40x125xi32, #tpu.memory_space<hbm>>
      %dma_start3A_237 = arith.constant 0 : i32
      %dma_start3A_238 = arith.constant 0 : i32
      %dma_start3A_239 = tpu.memref_slice %arg4[%arg0, %arg1, %dma_start3A_237, %dma_start3A_238] : memref<2x16x80x125xi32, #tpu.memory_space<hbm>> -> memref<1x1x40x125xi32, #tpu.memory_space<hbm>>
      %dma_start3A_240 = tpu.memref_squeeze %dma_start3A_239 : memref<1x1x40x125xi32, #tpu.memory_space<hbm>> -> memref<40x125xi32, #tpu.memory_space<hbm>>
      tpu.enqueue_dma source(%dma_start3A_240 : memref<40x125xi32, #tpu.memory_space<hbm>>) target(%arg8 : memref<40x125xi32, #tpu.memory_space<vmem>>) target_semaphore(%run_scoped3A : memref<!tpu.dma_semaphore, #tpu.memory_space<semaphore_mem>>)
      %dma_wait3A_241 = arith.constant 0 : i32
      %dma_wait3A_242 = arith.constant 0 : i32
      %dma_wait3A_243 = tpu.memref_slice %arg4[%arg0, %arg1, %dma_wait3A_241, %dma_wait3A_242] : memref<2x16x80x125xi32, #tpu.memory_space<hbm>> -> memref<1x1x40x125xi32, #tpu.memory_space<hbm>>
      %dma_wait3A_244 = tpu.memref_squeeze %dma_wait3A_243 : memref<1x1x40x125xi32, #tpu.memory_space<hbm>> -> memref<40x125xi32, #tpu.memory_space<hbm>>
      %dma_wait3A_245 = arith.constant 0 : i32
      %dma_wait3A_246 = arith.constant 0 : i32
      %dma_wait3A_247 = tpu.memref_slice %arg4[%arg0, %arg1, %dma_wait3A_245, %dma_wait3A_246] : memref<2x16x80x125xi32, #tpu.memory_space<hbm>> -> memref<1x1x40x125xi32, #tpu.memory_space<hbm>>
      %dma_wait3A_248 = tpu.memref_squeeze %dma_wait3A_247 : memref<1x1x40x125xi32, #tpu.memory_space<hbm>> -> memref<40x125xi32, #tpu.memory_space<hbm>>
      tpu.wait_dma2 semaphore(%run_scoped3A : memref<!tpu.dma_semaphore, #tpu.memory_space<semaphore_mem>>) src(%dma_wait3A_248 : memref<40x125xi32, #tpu.memory_space<hbm>>) dst(%arg8 : memref<40x125xi32, #tpu.memory_space<vmem>>)
      tpu.yield
    }) : () -> ()
    %barrier3A = arith.constant 0 : index
    tpu.barrier barrier_id(%barrier3A)
    %dma_start3A = arith.constant 0 : i32
    %dma_start3A_1 = arith.constant 0 : i32
    %dma_start3A_2 = tpu.memref_slice %arg7[%dma_start3A, %dma_start3A_1] : memref<40x125xi32, #tpu.memory_space<vmem>> -> memref<1x125xi32, #tpu.memory_space<vmem>>
    %dma_start3A_3 = tpu.memref_squeeze %dma_start3A_2 : memref<1x125xi32, #tpu.memory_space<vmem>> -> memref<125xi32, #tpu.memory_space<vmem>>
    %dma_start3A_4 = arith.constant 0 : i32
    %dma_start3A_5 = arith.constant 0 : i32
    %dma_start3A_6 = tpu.memref_slice %arg2[%dma_start3A_4, %dma_start3A_5] : memref<10240x128xf32, #tpu.memory_space<hbm>> -> memref<10240x128xf32, #tpu.memory_space<hbm>>
    tpu.enqueue_indirect_dma source(%dma_start3A_6 : memref<10240x128xf32, #tpu.memory_space<hbm>>) target(%arg9 : memref<125x128xf32, #tpu.memory_space<vmem>>) offsets(%dma_start3A_3 : memref<125xi32, #tpu.memory_space<vmem>>) semaphore(%arg12 : memref<!tpu.dma_semaphore, #tpu.memory_space<semaphore_mem>>)
    %dma_wait3A = arith.constant 0 : i32
    %dma_wait3A_7 = arith.constant 0 : i32
    %dma_wait3A_8 = tpu.memref_slice %arg7[%dma_wait3A, %dma_wait3A_7] : memref<40x125xi32, #tpu.memory_space<vmem>> -> memref<1x125xi32, #tpu.memory_space<vmem>>
    %dma_wait3A_9 = tpu.memref_squeeze %dma_wait3A_8 : memref<1x125xi32, #tpu.memory_space<vmem>> -> memref<125xi32, #tpu.memory_space<vmem>>
    %dma_wait3A_10 = arith.constant 0 : i32
    %dma_wait3A_11 = arith.constant 0 : i32
    %dma_wait3A_12 = tpu.memref_slice %arg2[%dma_wait3A_10, %dma_wait3A_11] : memref<10240x128xf32, #tpu.memory_space<hbm>> -> memref<10240x128xf32, #tpu.memory_space<hbm>>
    tpu.wait_indirect_dma semaphore(%arg12 : memref<!tpu.dma_semaphore, #tpu.memory_space<semaphore_mem>>) src(%dma_wait3A_12 : memref<10240x128xf32, #tpu.memory_space<hbm>>) dst(%arg9 : memref<125x128xf32, #tpu.memory_space<vmem>>)
    %dma_start3A_13 = arith.constant 0 : i32
    %dma_start3A_14 = arith.constant 0 : i32
    %dma_start3A_15 = tpu.memref_slice %arg8[%dma_start3A_13, %dma_start3A_14] : memref<40x125xi32, #tpu.memory_space<vmem>> -> memref<1x125xi32, #tpu.memory_space<vmem>>
    %dma_start3A_16 = tpu.memref_squeeze %dma_start3A_15 : memref<1x125xi32, #tpu.memory_space<vmem>> -> memref<125xi32, #tpu.memory_space<vmem>>
    %dma_start3A_17 = arith.constant 0 : i32
    %dma_start3A_18 = arith.constant 0 : i32
    %dma_start3A_19 = tpu.memref_slice %arg11[%dma_start3A_17, %dma_start3A_18] : memref<10240x128xf32, #tpu.memory_space<vmem_shared>> -> memref<10240x128xf32, #tpu.memory_space<vmem_shared>>
    tpu.enqueue_indirect_dma source(%arg9 : memref<125x128xf32, #tpu.memory_space<vmem>>) target(%dma_start3A_19 : memref<10240x128xf32, #tpu.memory_space<vmem_shared>>) offsets(%dma_start3A_16 : memref<125xi32, #tpu.memory_space<vmem>>) semaphore(%arg13 : memref<!tpu.dma_semaphore, #tpu.memory_space<semaphore_mem>>) {add = true}
    %dma_start3A_20 = arith.constant 1 : i32
    %dma_start3A_21 = arith.constant 0 : i32
    %dma_start3A_22 = tpu.memref_slice %arg7[%dma_start3A_20, %dma_start3A_21] : memref<40x125xi32, #tpu.memory_space<vmem>> -> memref<1x125xi32, #tpu.memory_space<vmem>>
    %dma_start3A_23 = tpu.memref_squeeze %dma_start3A_22 : memref<1x125xi32, #tpu.memory_space<vmem>> -> memref<125xi32, #tpu.memory_space<vmem>>
    %dma_start3A_24 = arith.constant 0 : i32
    %dma_start3A_25 = arith.constant 0 : i32
    %dma_start3A_26 = tpu.memref_slice %arg2[%dma_start3A_24, %dma_start3A_25] : memref<10240x128xf32, #tpu.memory_space<hbm>> -> memref<10240x128xf32, #tpu.memory_space<hbm>>
    tpu.enqueue_indirect_dma source(%dma_start3A_26 : memref<10240x128xf32, #tpu.memory_space<hbm>>) target(%arg10 : memref<125x128xf32, #tpu.memory_space<vmem>>) offsets(%dma_start3A_23 : memref<125xi32, #tpu.memory_space<vmem>>) semaphore(%arg12 : memref<!tpu.dma_semaphore, #tpu.memory_space<semaphore_mem>>)
    %dma_wait3A_27 = arith.constant 1 : i32
    %dma_wait3A_28 = arith.constant 0 : i32
    %dma_wait3A_29 = tpu.memref_slice %arg7[%dma_wait3A_27, %dma_wait3A_28] : memref<40x125xi32, #tpu.memory_space<vmem>> -> memref<1x125xi32, #tpu.memory_space<vmem>>
    %dma_wait3A_30 = tpu.memref_squeeze %dma_wait3A_29 : memref<1x125xi32, #tpu.memory_space<vmem>> -> memref<125xi32, #tpu.memory_space<vmem>>
    %dma_wait3A_31 = arith.constant 0 : i32
    %dma_wait3A_32 = arith.constant 0 : i32
    %dma_wait3A_33 = tpu.memref_slice %arg2[%dma_wait3A_31, %dma_wait3A_32] : memref<10240x128xf32, #tpu.memory_space<hbm>> -> memref<10240x128xf32, #tpu.memory_space<hbm>>
    tpu.wait_indirect_dma semaphore(%arg12 : memref<!tpu.dma_semaphore, #tpu.memory_space<semaphore_mem>>) src(%dma_wait3A_33 : memref<10240x128xf32, #tpu.memory_space<hbm>>) dst(%arg10 : memref<125x128xf32, #tpu.memory_space<vmem>>)
    %dma_start3A_34 = arith.constant 1 : i32
    %dma_start3A_35 = arith.constant 0 : i32
    %dma_start3A_36 = tpu.memref_slice %arg8[%dma_start3A_34, %dma_start3A_35] : memref<40x125xi32, #tpu.memory_space<vmem>> -> memref<1x125xi32, #tpu.memory_space<vmem>>
    %dma_start3A_37 = tpu.memref_squeeze %dma_start3A_36 : memref<1x125xi32, #tpu.memory_space<vmem>> -> memref<125xi32, #tpu.memory_space<vmem>>
    %dma_start3A_38 = arith.constant 0 : i32
    %dma_start3A_39 = arith.constant 0 : i32
    %dma_start3A_40 = tpu.memref_slice %arg11[%dma_start3A_38, %dma_start3A_39] : memref<10240x128xf32, #tpu.memory_space<vmem_shared>> -> memref<10240x128xf32, #tpu.memory_space<vmem_shared>>
    tpu.enqueue_indirect_dma source(%arg10 : memref<125x128xf32, #tpu.memory_space<vmem>>) target(%dma_start3A_40 : memref<10240x128xf32, #tpu.memory_space<vmem_shared>>) offsets(%dma_start3A_37 : memref<125xi32, #tpu.memory_space<vmem>>) semaphore(%arg13 : memref<!tpu.dma_semaphore, #tpu.memory_space<semaphore_mem>>) {add = true}
    %dma_wait3A_41 = arith.constant 0 : i32
    %dma_wait3A_42 = arith.constant 0 : i32
    %dma_wait3A_43 = tpu.memref_slice %arg8[%dma_wait3A_41, %dma_wait3A_42] : memref<40x125xi32, #tpu.memory_space<vmem>> -> memref<1x125xi32, #tpu.memory_space<vmem>>
    %dma_wait3A_44 = tpu.memref_squeeze %dma_wait3A_43 : memref<1x125xi32, #tpu.memory_space<vmem>> -> memref<125xi32, #tpu.memory_space<vmem>>
    %dma_wait3A_45 = arith.constant 0 : i32
    %dma_wait3A_46 = arith.constant 0 : i32
    %dma_wait3A_47 = tpu.memref_slice %arg11[%dma_wait3A_45, %dma_wait3A_46] : memref<10240x128xf32, #tpu.memory_space<vmem_shared>> -> memref<10240x128xf32, #tpu.memory_space<vmem_shared>>
    tpu.wait_indirect_dma semaphore(%arg13 : memref<!tpu.dma_semaphore, #tpu.memory_space<semaphore_mem>>) src(%arg9 : memref<125x128xf32, #tpu.memory_space<vmem>>) dst(%dma_wait3A_47 : memref<10240x128xf32, #tpu.memory_space<vmem_shared>>)
    %dma_start3A_48 = arith.constant 2 : i32
    %dma_start3A_49 = arith.constant 0 : i32
    %dma_start3A_50 = tpu.memref_slice %arg7[%dma_start3A_48, %dma_start3A_49] : memref<40x125xi32, #tpu.memory_space<vmem>> -> memref<1x125xi32, #tpu.memory_space<vmem>>
    %dma_start3A_51 = tpu.memref_squeeze %dma_start3A_50 : memref<1x125xi32, #tpu.memory_space<vmem>> -> memref<125xi32, #tpu.memory_space<vmem>>
    %dma_start3A_52 = arith.constant 0 : i32
    %dma_start3A_53 = arith.constant 0 : i32
    %dma_start3A_54 = tpu.memref_slice %arg2[%dma_start3A_52, %dma_start3A_53] : memref<10240x128xf32, #tpu.memory_space<hbm>> -> memref<10240x128xf32, #tpu.memory_space<hbm>>
    tpu.enqueue_indirect_dma source(%dma_start3A_54 : memref<10240x128xf32, #tpu.memory_space<hbm>>) target(%arg9 : memref<125x128xf32, #tpu.memory_space<vmem>>) offsets(%dma_start3A_51 : memref<125xi32, #tpu.memory_space<vmem>>) semaphore(%arg12 : memref<!tpu.dma_semaphore, #tpu.memory_space<semaphore_mem>>)
    %scan3A = arith.constant 0 : i32
    %scan3A_55 = arith.constant 18 : i32
    %scan3A_56 = arith.addi %scan3A, %scan3A_55 : i32
    %scan3A_57 = arith.constant 1 : i32
    scf.for %scan3A_233 = %scan3A to %scan3A_56 step %scan3A_57  : i32 {
      %mul3A_234 = arith.constant 2 : i32
      %mul3A_235 = arith.muli %scan3A_233, %mul3A_234 : i32
      %add3A = arith.constant 2 : i32
      %add3A_236 = arith.addi %add3A, %mul3A_235 : i32
      %dma_wait3A_237 = arith.constant 0 : i32
      %dma_wait3A_238 = tpu.memref_slice %arg7[%add3A_236, %dma_wait3A_237] : memref<40x125xi32, #tpu.memory_space<vmem>> -> memref<1x125xi32, #tpu.memory_space<vmem>>
      %dma_wait3A_239 = tpu.memref_squeeze %dma_wait3A_238 : memref<1x125xi32, #tpu.memory_space<vmem>> -> memref<125xi32, #tpu.memory_space<vmem>>
      %dma_wait3A_240 = arith.constant 0 : i32
      %dma_wait3A_241 = arith.constant 0 : i32
      %dma_wait3A_242 = tpu.memref_slice %arg2[%dma_wait3A_240, %dma_wait3A_241] : memref<10240x128xf32, #tpu.memory_space<hbm>> -> memref<10240x128xf32, #tpu.memory_space<hbm>>
      tpu.wait_indirect_dma semaphore(%arg12 : memref<!tpu.dma_semaphore, #tpu.memory_space<semaphore_mem>>) src(%dma_wait3A_242 : memref<10240x128xf32, #tpu.memory_space<hbm>>) dst(%arg9 : memref<125x128xf32, #tpu.memory_space<vmem>>)
      %dma_start3A_243 = arith.constant 0 : i32
      %dma_start3A_244 = tpu.memref_slice %arg8[%add3A_236, %dma_start3A_243] : memref<40x125xi32, #tpu.memory_space<vmem>> -> memref<1x125xi32, #tpu.memory_space<vmem>>
      %dma_start3A_245 = tpu.memref_squeeze %dma_start3A_244 : memref<1x125xi32, #tpu.memory_space<vmem>> -> memref<125xi32, #tpu.memory_space<vmem>>
      %dma_start3A_246 = arith.constant 0 : i32
      %dma_start3A_247 = arith.constant 0 : i32
      %dma_start3A_248 = tpu.memref_slice %arg11[%dma_start3A_246, %dma_start3A_247] : memref<10240x128xf32, #tpu.memory_space<vmem_shared>> -> memref<10240x128xf32, #tpu.memory_space<vmem_shared>>
      tpu.enqueue_indirect_dma source(%arg9 : memref<125x128xf32, #tpu.memory_space<vmem>>) target(%dma_start3A_248 : memref<10240x128xf32, #tpu.memory_space<vmem_shared>>) offsets(%dma_start3A_245 : memref<125xi32, #tpu.memory_space<vmem>>) semaphore(%arg13 : memref<!tpu.dma_semaphore, #tpu.memory_space<semaphore_mem>>) {add = true}
      %sub3A = arith.constant 1 : i32
      %sub3A_249 = arith.subi %add3A_236, %sub3A : i32
      %dma_wait3A_250 = arith.constant 0 : i32
      %dma_wait3A_251 = tpu.memref_slice %arg8[%sub3A_249, %dma_wait3A_250] : memref<40x125xi32, #tpu.memory_space<vmem>> -> memref<1x125xi32, #tpu.memory_space<vmem>>
      %dma_wait3A_252 = tpu.memref_squeeze %dma_wait3A_251 : memref<1x125xi32, #tpu.memory_space<vmem>> -> memref<125xi32, #tpu.memory_space<vmem>>
      %dma_wait3A_253 = arith.constant 0 : i32
      %dma_wait3A_254 = arith.constant 0 : i32
      %dma_wait3A_255 = tpu.memref_slice %arg11[%dma_wait3A_253, %dma_wait3A_254] : memref<10240x128xf32, #tpu.memory_space<vmem_shared>> -> memref<10240x128xf32, #tpu.memory_space<vmem_shared>>
      tpu.wait_indirect_dma semaphore(%arg13 : memref<!tpu.dma_semaphore, #tpu.memory_space<semaphore_mem>>) src(%arg10 : memref<125x128xf32, #tpu.memory_space<vmem>>) dst(%dma_wait3A_255 : memref<10240x128xf32, #tpu.memory_space<vmem_shared>>)
      %add3A_256 = arith.constant 1 : i32
      %add3A_257 = arith.addi %add3A_236, %add3A_256 : i32
      %dma_start3A_258 = arith.constant 0 : i32
      %dma_start3A_259 = tpu.memref_slice %arg7[%add3A_257, %dma_start3A_258] : memref<40x125xi32, #tpu.memory_space<vmem>> -> memref<1x125xi32, #tpu.memory_space<vmem>>
      %dma_start3A_260 = tpu.memref_squeeze %dma_start3A_259 : memref<1x125xi32, #tpu.memory_space<vmem>> -> memref<125xi32, #tpu.memory_space<vmem>>
      %dma_start3A_261 = arith.constant 0 : i32
      %dma_start3A_262 = arith.constant 0 : i32
      %dma_start3A_263 = tpu.memref_slice %arg2[%dma_start3A_261, %dma_start3A_262] : memref<10240x128xf32, #tpu.memory_space<hbm>> -> memref<10240x128xf32, #tpu.memory_space<hbm>>
      tpu.enqueue_indirect_dma source(%dma_start3A_263 : memref<10240x128xf32, #tpu.memory_space<hbm>>) target(%arg10 : memref<125x128xf32, #tpu.memory_space<vmem>>) offsets(%dma_start3A_260 : memref<125xi32, #tpu.memory_space<vmem>>) semaphore(%arg12 : memref<!tpu.dma_semaphore, #tpu.memory_space<semaphore_mem>>)
      %add3A_264 = arith.constant 1 : i32
      %add3A_265 = arith.addi %add3A_236, %add3A_264 : i32
      %dma_wait3A_266 = arith.constant 0 : i32
      %dma_wait3A_267 = tpu.memref_slice %arg7[%add3A_265, %dma_wait3A_266] : memref<40x125xi32, #tpu.memory_space<vmem>> -> memref<1x125xi32, #tpu.memory_space<vmem>>
      %dma_wait3A_268 = tpu.memref_squeeze %dma_wait3A_267 : memref<1x125xi32, #tpu.memory_space<vmem>> -> memref<125xi32, #tpu.memory_space<vmem>>
      %dma_wait3A_269 = arith.constant 0 : i32
      %dma_wait3A_270 = arith.constant 0 : i32
      %dma_wait3A_271 = tpu.memref_slice %arg2[%dma_wait3A_269, %dma_wait3A_270] : memref<10240x128xf32, #tpu.memory_space<hbm>> -> memref<10240x128xf32, #tpu.memory_space<hbm>>
      tpu.wait_indirect_dma semaphore(%arg12 : memref<!tpu.dma_semaphore, #tpu.memory_space<semaphore_mem>>) src(%dma_wait3A_271 : memref<10240x128xf32, #tpu.memory_space<hbm>>) dst(%arg10 : memref<125x128xf32, #tpu.memory_space<vmem>>)
      %add3A_272 = arith.constant 1 : i32
      %add3A_273 = arith.addi %add3A_236, %add3A_272 : i32
      %dma_start3A_274 = arith.constant 0 : i32
      %dma_start3A_275 = tpu.memref_slice %arg8[%add3A_273, %dma_start3A_274] : memref<40x125xi32, #tpu.memory_space<vmem>> -> memref<1x125xi32, #tpu.memory_space<vmem>>
      %dma_start3A_276 = tpu.memref_squeeze %dma_start3A_275 : memref<1x125xi32, #tpu.memory_space<vmem>> -> memref<125xi32, #tpu.memory_space<vmem>>
      %dma_start3A_277 = arith.constant 0 : i32
      %dma_start3A_278 = arith.constant 0 : i32
      %dma_start3A_279 = tpu.memref_slice %arg11[%dma_start3A_277, %dma_start3A_278] : memref<10240x128xf32, #tpu.memory_space<vmem_shared>> -> memref<10240x128xf32, #tpu.memory_space<vmem_shared>>
      tpu.enqueue_indirect_dma source(%arg10 : memref<125x128xf32, #tpu.memory_space<vmem>>) target(%dma_start3A_279 : memref<10240x128xf32, #tpu.memory_space<vmem_shared>>) offsets(%dma_start3A_276 : memref<125xi32, #tpu.memory_space<vmem>>) semaphore(%arg13 : memref<!tpu.dma_semaphore, #tpu.memory_space<semaphore_mem>>) {add = true}
      %dma_wait3A_280 = arith.constant 0 : i32
      %dma_wait3A_281 = tpu.memref_slice %arg8[%add3A_236, %dma_wait3A_280] : memref<40x125xi32, #tpu.memory_space<vmem>> -> memref<1x125xi32, #tpu.memory_space<vmem>>
      %dma_wait3A_282 = tpu.memref_squeeze %dma_wait3A_281 : memref<1x125xi32, #tpu.memory_space<vmem>> -> memref<125xi32, #tpu.memory_space<vmem>>
      %dma_wait3A_283 = arith.constant 0 : i32
      %dma_wait3A_284 = arith.constant 0 : i32
      %dma_wait3A_285 = tpu.memref_slice %arg11[%dma_wait3A_283, %dma_wait3A_284] : memref<10240x128xf32, #tpu.memory_space<vmem_shared>> -> memref<10240x128xf32, #tpu.memory_space<vmem_shared>>
      tpu.wait_indirect_dma semaphore(%arg13 : memref<!tpu.dma_semaphore, #tpu.memory_space<semaphore_mem>>) src(%arg9 : memref<125x128xf32, #tpu.memory_space<vmem>>) dst(%dma_wait3A_285 : memref<10240x128xf32, #tpu.memory_space<vmem_shared>>)
      %add3A_286 = arith.constant 2 : i32
      %add3A_287 = arith.addi %add3A_236, %add3A_286 : i32
      %dma_start3A_288 = arith.constant 0 : i32
      %dma_start3A_289 = tpu.memref_slice %arg7[%add3A_287, %dma_start3A_288] : memref<40x125xi32, #tpu.memory_space<vmem>> -> memref<1x125xi32, #tpu.memory_space<vmem>>
      %dma_start3A_290 = tpu.memref_squeeze %dma_start3A_289 : memref<1x125xi32, #tpu.memory_space<vmem>> -> memref<125xi32, #tpu.memory_space<vmem>>
      %dma_start3A_291 = arith.constant 0 : i32
      %dma_start3A_292 = arith.constant 0 : i32
      %dma_start3A_293 = tpu.memref_slice %arg2[%dma_start3A_291, %dma_start3A_292] : memref<10240x128xf32, #tpu.memory_space<hbm>> -> memref<10240x128xf32, #tpu.memory_space<hbm>>
      tpu.enqueue_indirect_dma source(%dma_start3A_293 : memref<10240x128xf32, #tpu.memory_space<hbm>>) target(%arg9 : memref<125x128xf32, #tpu.memory_space<vmem>>) offsets(%dma_start3A_290 : memref<125xi32, #tpu.memory_space<vmem>>) semaphore(%arg12 : memref<!tpu.dma_semaphore, #tpu.memory_space<semaphore_mem>>)
    }
    %scan3A_58 = arith.constant 18 : i32
    %dma_wait3A_59 = arith.constant 38 : i32
    %dma_wait3A_60 = arith.constant 0 : i32
    %dma_wait3A_61 = tpu.memref_slice %arg7[%dma_wait3A_59, %dma_wait3A_60] : memref<40x125xi32, #tpu.memory_space<vmem>> -> memref<1x125xi32, #tpu.memory_space<vmem>>
    %dma_wait3A_62 = tpu.memref_squeeze %dma_wait3A_61 : memref<1x125xi32, #tpu.memory_space<vmem>> -> memref<125xi32, #tpu.memory_space<vmem>>
    %dma_wait3A_63 = arith.constant 0 : i32
    %dma_wait3A_64 = arith.constant 0 : i32
    %dma_wait3A_65 = tpu.memref_slice %arg2[%dma_wait3A_63, %dma_wait3A_64] : memref<10240x128xf32, #tpu.memory_space<hbm>> -> memref<10240x128xf32, #tpu.memory_space<hbm>>
    tpu.wait_indirect_dma semaphore(%arg12 : memref<!tpu.dma_semaphore, #tpu.memory_space<semaphore_mem>>) src(%dma_wait3A_65 : memref<10240x128xf32, #tpu.memory_space<hbm>>) dst(%arg9 : memref<125x128xf32, #tpu.memory_space<vmem>>)
    %dma_start3A_66 = arith.constant 38 : i32
    %dma_start3A_67 = arith.constant 0 : i32
    %dma_start3A_68 = tpu.memref_slice %arg8[%dma_start3A_66, %dma_start3A_67] : memref<40x125xi32, #tpu.memory_space<vmem>> -> memref<1x125xi32, #tpu.memory_space<vmem>>
    %dma_start3A_69 = tpu.memref_squeeze %dma_start3A_68 : memref<1x125xi32, #tpu.memory_space<vmem>> -> memref<125xi32, #tpu.memory_space<vmem>>
    %dma_start3A_70 = arith.constant 0 : i32
    %dma_start3A_71 = arith.constant 0 : i32
    %dma_start3A_72 = tpu.memref_slice %arg11[%dma_start3A_70, %dma_start3A_71] : memref<10240x128xf32, #tpu.memory_space<vmem_shared>> -> memref<10240x128xf32, #tpu.memory_space<vmem_shared>>
    tpu.enqueue_indirect_dma source(%arg9 : memref<125x128xf32, #tpu.memory_space<vmem>>) target(%dma_start3A_72 : memref<10240x128xf32, #tpu.memory_space<vmem_shared>>) offsets(%dma_start3A_69 : memref<125xi32, #tpu.memory_space<vmem>>) semaphore(%arg13 : memref<!tpu.dma_semaphore, #tpu.memory_space<semaphore_mem>>) {add = true}
    %dma_wait3A_73 = arith.constant 37 : i32
    %dma_wait3A_74 = arith.constant 0 : i32
    %dma_wait3A_75 = tpu.memref_slice %arg8[%dma_wait3A_73, %dma_wait3A_74] : memref<40x125xi32, #tpu.memory_space<vmem>> -> memref<1x125xi32, #tpu.memory_space<vmem>>
    %dma_wait3A_76 = tpu.memref_squeeze %dma_wait3A_75 : memref<1x125xi32, #tpu.memory_space<vmem>> -> memref<125xi32, #tpu.memory_space<vmem>>
    %dma_wait3A_77 = arith.constant 0 : i32
    %dma_wait3A_78 = arith.constant 0 : i32
    %dma_wait3A_79 = tpu.memref_slice %arg11[%dma_wait3A_77, %dma_wait3A_78] : memref<10240x128xf32, #tpu.memory_space<vmem_shared>> -> memref<10240x128xf32, #tpu.memory_space<vmem_shared>>
    tpu.wait_indirect_dma semaphore(%arg13 : memref<!tpu.dma_semaphore, #tpu.memory_space<semaphore_mem>>) src(%arg10 : memref<125x128xf32, #tpu.memory_space<vmem>>) dst(%dma_wait3A_79 : memref<10240x128xf32, #tpu.memory_space<vmem_shared>>)
    %dma_start3A_80 = arith.constant 39 : i32
    %dma_start3A_81 = arith.constant 0 : i32
    %dma_start3A_82 = tpu.memref_slice %arg7[%dma_start3A_80, %dma_start3A_81] : memref<40x125xi32, #tpu.memory_space<vmem>> -> memref<1x125xi32, #tpu.memory_space<vmem>>
    %dma_start3A_83 = tpu.memref_squeeze %dma_start3A_82 : memref<1x125xi32, #tpu.memory_space<vmem>> -> memref<125xi32, #tpu.memory_space<vmem>>
    %dma_start3A_84 = arith.constant 0 : i32
    %dma_start3A_85 = arith.constant 0 : i32
    %dma_start3A_86 = tpu.memref_slice %arg2[%dma_start3A_84, %dma_start3A_85] : memref<10240x128xf32, #tpu.memory_space<hbm>> -> memref<10240x128xf32, #tpu.memory_space<hbm>>
    tpu.enqueue_indirect_dma source(%dma_start3A_86 : memref<10240x128xf32, #tpu.memory_space<hbm>>) target(%arg10 : memref<125x128xf32, #tpu.memory_space<vmem>>) offsets(%dma_start3A_83 : memref<125xi32, #tpu.memory_space<vmem>>) semaphore(%arg12 : memref<!tpu.dma_semaphore, #tpu.memory_space<semaphore_mem>>)
    %dma_wait3A_87 = arith.constant 39 : i32
    %dma_wait3A_88 = arith.constant 0 : i32
    %dma_wait3A_89 = tpu.memref_slice %arg7[%dma_wait3A_87, %dma_wait3A_88] : memref<40x125xi32, #tpu.memory_space<vmem>> -> memref<1x125xi32, #tpu.memory_space<vmem>>
    %dma_wait3A_90 = tpu.memref_squeeze %dma_wait3A_89 : memref<1x125xi32, #tpu.memory_space<vmem>> -> memref<125xi32, #tpu.memory_space<vmem>>
    %dma_wait3A_91 = arith.constant 0 : i32
    %dma_wait3A_92 = arith.constant 0 : i32
    %dma_wait3A_93 = tpu.memref_slice %arg2[%dma_wait3A_91, %dma_wait3A_92] : memref<10240x128xf32, #tpu.memory_space<hbm>> -> memref<10240x128xf32, #tpu.memory_space<hbm>>
    tpu.wait_indirect_dma semaphore(%arg12 : memref<!tpu.dma_semaphore, #tpu.memory_space<semaphore_mem>>) src(%dma_wait3A_93 : memref<10240x128xf32, #tpu.memory_space<hbm>>) dst(%arg10 : memref<125x128xf32, #tpu.memory_space<vmem>>)
    %dma_start3A_94 = arith.constant 39 : i32
    %dma_start3A_95 = arith.constant 0 : i32
    %dma_start3A_96 = tpu.memref_slice %arg8[%dma_start3A_94, %dma_start3A_95] : memref<40x125xi32, #tpu.memory_space<vmem>> -> memref<1x125xi32, #tpu.memory_space<vmem>>
    %dma_start3A_97 = tpu.memref_squeeze %dma_start3A_96 : memref<1x125xi32, #tpu.memory_space<vmem>> -> memref<125xi32, #tpu.memory_space<vmem>>
    %dma_start3A_98 = arith.constant 0 : i32
    %dma_start3A_99 = arith.constant 0 : i32
    %dma_start3A_100 = tpu.memref_slice %arg11[%dma_start3A_98, %dma_start3A_99] : memref<10240x128xf32, #tpu.memory_space<vmem_shared>> -> memref<10240x128xf32, #tpu.memory_space<vmem_shared>>
    tpu.enqueue_indirect_dma source(%arg10 : memref<125x128xf32, #tpu.memory_space<vmem>>) target(%dma_start3A_100 : memref<10240x128xf32, #tpu.memory_space<vmem_shared>>) offsets(%dma_start3A_97 : memref<125xi32, #tpu.memory_space<vmem>>) semaphore(%arg13 : memref<!tpu.dma_semaphore, #tpu.memory_space<semaphore_mem>>) {add = true}
    %dma_wait3A_101 = arith.constant 38 : i32
    %dma_wait3A_102 = arith.constant 0 : i32
    %dma_wait3A_103 = tpu.memref_slice %arg8[%dma_wait3A_101, %dma_wait3A_102] : memref<40x125xi32, #tpu.memory_space<vmem>> -> memref<1x125xi32, #tpu.memory_space<vmem>>
    %dma_wait3A_104 = tpu.memref_squeeze %dma_wait3A_103 : memref<1x125xi32, #tpu.memory_space<vmem>> -> memref<125xi32, #tpu.memory_space<vmem>>
    %dma_wait3A_105 = arith.constant 0 : i32
    %dma_wait3A_106 = arith.constant 0 : i32
    %dma_wait3A_107 = tpu.memref_slice %arg11[%dma_wait3A_105, %dma_wait3A_106] : memref<10240x128xf32, #tpu.memory_space<vmem_shared>> -> memref<10240x128xf32, #tpu.memory_space<vmem_shared>>
    tpu.wait_indirect_dma semaphore(%arg13 : memref<!tpu.dma_semaphore, #tpu.memory_space<semaphore_mem>>) src(%arg9 : memref<125x128xf32, #tpu.memory_space<vmem>>) dst(%dma_wait3A_107 : memref<10240x128xf32, #tpu.memory_space<vmem_shared>>)
    %dma_wait3A_108 = arith.constant 39 : i32
    %dma_wait3A_109 = arith.constant 0 : i32
    %dma_wait3A_110 = tpu.memref_slice %arg8[%dma_wait3A_108, %dma_wait3A_109] : memref<40x125xi32, #tpu.memory_space<vmem>> -> memref<1x125xi32, #tpu.memory_space<vmem>>
    %dma_wait3A_111 = tpu.memref_squeeze %dma_wait3A_110 : memref<1x125xi32, #tpu.memory_space<vmem>> -> memref<125xi32, #tpu.memory_space<vmem>>
    %dma_wait3A_112 = arith.constant 0 : i32
    %dma_wait3A_113 = arith.constant 0 : i32
    %dma_wait3A_114 = tpu.memref_slice %arg11[%dma_wait3A_112, %dma_wait3A_113] : memref<10240x128xf32, #tpu.memory_space<vmem_shared>> -> memref<10240x128xf32, #tpu.memory_space<vmem_shared>>
    tpu.wait_indirect_dma semaphore(%arg13 : memref<!tpu.dma_semaphore, #tpu.memory_space<semaphore_mem>>) src(%arg10 : memref<125x128xf32, #tpu.memory_space<vmem>>) dst(%dma_wait3A_114 : memref<10240x128xf32, #tpu.memory_space<vmem_shared>>)
    "tpu.region"() ({
      %run_scoped3A = tpu.sem_alloc : memref<!tpu.dma_semaphore, #tpu.memory_space<semaphore_mem>>
      %dma_start3A_233 = arith.constant 40 : i32
      %dma_start3A_234 = arith.constant 0 : i32
      %dma_start3A_235 = tpu.memref_slice %arg3[%arg0, %arg1, %dma_start3A_233, %dma_start3A_234] : memref<2x16x80x125xi32, #tpu.memory_space<hbm>> -> memref<1x1x40x125xi32, #tpu.memory_space<hbm>>
      %dma_start3A_236 = tpu.memref_squeeze %dma_start3A_235 : memref<1x1x40x125xi32, #tpu.memory_space<hbm>> -> memref<40x125xi32, #tpu.memory_space<hbm>>
      %dma_start3A_237 = arith.constant 40 : i32
      %dma_start3A_238 = arith.constant 0 : i32
      %dma_start3A_239 = tpu.memref_slice %arg3[%arg0, %arg1, %dma_start3A_237, %dma_start3A_238] : memref<2x16x80x125xi32, #tpu.memory_space<hbm>> -> memref<1x1x40x125xi32, #tpu.memory_space<hbm>>
      %dma_start3A_240 = tpu.memref_squeeze %dma_start3A_239 : memref<1x1x40x125xi32, #tpu.memory_space<hbm>> -> memref<40x125xi32, #tpu.memory_space<hbm>>
      tpu.enqueue_dma source(%dma_start3A_240 : memref<40x125xi32, #tpu.memory_space<hbm>>) target(%arg7 : memref<40x125xi32, #tpu.memory_space<vmem>>) target_semaphore(%run_scoped3A : memref<!tpu.dma_semaphore, #tpu.memory_space<semaphore_mem>>)
      %dma_wait3A_241 = arith.constant 40 : i32
      %dma_wait3A_242 = arith.constant 0 : i32
      %dma_wait3A_243 = tpu.memref_slice %arg3[%arg0, %arg1, %dma_wait3A_241, %dma_wait3A_242] : memref<2x16x80x125xi32, #tpu.memory_space<hbm>> -> memref<1x1x40x125xi32, #tpu.memory_space<hbm>>
      %dma_wait3A_244 = tpu.memref_squeeze %dma_wait3A_243 : memref<1x1x40x125xi32, #tpu.memory_space<hbm>> -> memref<40x125xi32, #tpu.memory_space<hbm>>
      %dma_wait3A_245 = arith.constant 40 : i32
      %dma_wait3A_246 = arith.constant 0 : i32
      %dma_wait3A_247 = tpu.memref_slice %arg3[%arg0, %arg1, %dma_wait3A_245, %dma_wait3A_246] : memref<2x16x80x125xi32, #tpu.memory_space<hbm>> -> memref<1x1x40x125xi32, #tpu.memory_space<hbm>>
      %dma_wait3A_248 = tpu.memref_squeeze %dma_wait3A_247 : memref<1x1x40x125xi32, #tpu.memory_space<hbm>> -> memref<40x125xi32, #tpu.memory_space<hbm>>
      tpu.wait_dma2 semaphore(%run_scoped3A : memref<!tpu.dma_semaphore, #tpu.memory_space<semaphore_mem>>) src(%dma_wait3A_248 : memref<40x125xi32, #tpu.memory_space<hbm>>) dst(%arg7 : memref<40x125xi32, #tpu.memory_space<vmem>>)
      tpu.yield
    }) : () -> ()
    "tpu.region"() ({
      %run_scoped3A = tpu.sem_alloc : memref<!tpu.dma_semaphore, #tpu.memory_space<semaphore_mem>>
      %dma_start3A_233 = arith.constant 40 : i32
      %dma_start3A_234 = arith.constant 0 : i32
      %dma_start3A_235 = tpu.memref_slice %arg4[%arg0, %arg1, %dma_start3A_233, %dma_start3A_234] : memref<2x16x80x125xi32, #tpu.memory_space<hbm>> -> memref<1x1x40x125xi32, #tpu.memory_space<hbm>>
      %dma_start3A_236 = tpu.memref_squeeze %dma_start3A_235 : memref<1x1x40x125xi32, #tpu.memory_space<hbm>> -> memref<40x125xi32, #tpu.memory_space<hbm>>
      %dma_start3A_237 = arith.constant 40 : i32
      %dma_start3A_238 = arith.constant 0 : i32
      %dma_start3A_239 = tpu.memref_slice %arg4[%arg0, %arg1, %dma_start3A_237, %dma_start3A_238] : memref<2x16x80x125xi32, #tpu.memory_space<hbm>> -> memref<1x1x40x125xi32, #tpu.memory_space<hbm>>
      %dma_start3A_240 = tpu.memref_squeeze %dma_start3A_239 : memref<1x1x40x125xi32, #tpu.memory_space<hbm>> -> memref<40x125xi32, #tpu.memory_space<hbm>>
      tpu.enqueue_dma source(%dma_start3A_240 : memref<40x125xi32, #tpu.memory_space<hbm>>) target(%arg8 : memref<40x125xi32, #tpu.memory_space<vmem>>) target_semaphore(%run_scoped3A : memref<!tpu.dma_semaphore, #tpu.memory_space<semaphore_mem>>)
      %dma_wait3A_241 = arith.constant 40 : i32
      %dma_wait3A_242 = arith.constant 0 : i32
      %dma_wait3A_243 = tpu.memref_slice %arg4[%arg0, %arg1, %dma_wait3A_241, %dma_wait3A_242] : memref<2x16x80x125xi32, #tpu.memory_space<hbm>> -> memref<1x1x40x125xi32, #tpu.memory_space<hbm>>
      %dma_wait3A_244 = tpu.memref_squeeze %dma_wait3A_243 : memref<1x1x40x125xi32, #tpu.memory_space<hbm>> -> memref<40x125xi32, #tpu.memory_space<hbm>>
      %dma_wait3A_245 = arith.constant 40 : i32
      %dma_wait3A_246 = arith.constant 0 : i32
      %dma_wait3A_247 = tpu.memref_slice %arg4[%arg0, %arg1, %dma_wait3A_245, %dma_wait3A_246] : memref<2x16x80x125xi32, #tpu.memory_space<hbm>> -> memref<1x1x40x125xi32, #tpu.memory_space<hbm>>
      %dma_wait3A_248 = tpu.memref_squeeze %dma_wait3A_247 : memref<1x1x40x125xi32, #tpu.memory_space<hbm>> -> memref<40x125xi32, #tpu.memory_space<hbm>>
      tpu.wait_dma2 semaphore(%run_scoped3A : memref<!tpu.dma_semaphore, #tpu.memory_space<semaphore_mem>>) src(%dma_wait3A_248 : memref<40x125xi32, #tpu.memory_space<hbm>>) dst(%arg8 : memref<40x125xi32, #tpu.memory_space<vmem>>)
      tpu.yield
    }) : () -> ()
    %dma_start3A_115 = arith.constant 0 : i32
    %dma_start3A_116 = arith.constant 0 : i32
    %dma_start3A_117 = tpu.memref_slice %arg7[%dma_start3A_115, %dma_start3A_116] : memref<40x125xi32, #tpu.memory_space<vmem>> -> memref<1x125xi32, #tpu.memory_space<vmem>>
    %dma_start3A_118 = tpu.memref_squeeze %dma_start3A_117 : memref<1x125xi32, #tpu.memory_space<vmem>> -> memref<125xi32, #tpu.memory_space<vmem>>
    %dma_start3A_119 = arith.constant 0 : i32
    %dma_start3A_120 = arith.constant 0 : i32
    %dma_start3A_121 = tpu.memref_slice %arg2[%dma_start3A_119, %dma_start3A_120] : memref<10240x128xf32, #tpu.memory_space<hbm>> -> memref<10240x128xf32, #tpu.memory_space<hbm>>
    tpu.enqueue_indirect_dma source(%dma_start3A_121 : memref<10240x128xf32, #tpu.memory_space<hbm>>) target(%arg9 : memref<125x128xf32, #tpu.memory_space<vmem>>) offsets(%dma_start3A_118 : memref<125xi32, #tpu.memory_space<vmem>>) semaphore(%arg12 : memref<!tpu.dma_semaphore, #tpu.memory_space<semaphore_mem>>)
    %dma_wait3A_122 = arith.constant 0 : i32
    %dma_wait3A_123 = arith.constant 0 : i32
    %dma_wait3A_124 = tpu.memref_slice %arg7[%dma_wait3A_122, %dma_wait3A_123] : memref<40x125xi32, #tpu.memory_space<vmem>> -> memref<1x125xi32, #tpu.memory_space<vmem>>
    %dma_wait3A_125 = tpu.memref_squeeze %dma_wait3A_124 : memref<1x125xi32, #tpu.memory_space<vmem>> -> memref<125xi32, #tpu.memory_space<vmem>>
    %dma_wait3A_126 = arith.constant 0 : i32
    %dma_wait3A_127 = arith.constant 0 : i32
    %dma_wait3A_128 = tpu.memref_slice %arg2[%dma_wait3A_126, %dma_wait3A_127] : memref<10240x128xf32, #tpu.memory_space<hbm>> -> memref<10240x128xf32, #tpu.memory_space<hbm>>
    tpu.wait_indirect_dma semaphore(%arg12 : memref<!tpu.dma_semaphore, #tpu.memory_space<semaphore_mem>>) src(%dma_wait3A_128 : memref<10240x128xf32, #tpu.memory_space<hbm>>) dst(%arg9 : memref<125x128xf32, #tpu.memory_space<vmem>>)
    %dma_start3A_129 = arith.constant 0 : i32
    %dma_start3A_130 = arith.constant 0 : i32
    %dma_start3A_131 = tpu.memref_slice %arg8[%dma_start3A_129, %dma_start3A_130] : memref<40x125xi32, #tpu.memory_space<vmem>> -> memref<1x125xi32, #tpu.memory_space<vmem>>
    %dma_start3A_132 = tpu.memref_squeeze %dma_start3A_131 : memref<1x125xi32, #tpu.memory_space<vmem>> -> memref<125xi32, #tpu.memory_space<vmem>>
    %dma_start3A_133 = arith.constant 0 : i32
    %dma_start3A_134 = arith.constant 0 : i32
    %dma_start3A_135 = tpu.memref_slice %arg11[%dma_start3A_133, %dma_start3A_134] : memref<10240x128xf32, #tpu.memory_space<vmem_shared>> -> memref<10240x128xf32, #tpu.memory_space<vmem_shared>>
    tpu.enqueue_indirect_dma source(%arg9 : memref<125x128xf32, #tpu.memory_space<vmem>>) target(%dma_start3A_135 : memref<10240x128xf32, #tpu.memory_space<vmem_shared>>) offsets(%dma_start3A_132 : memref<125xi32, #tpu.memory_space<vmem>>) semaphore(%arg13 : memref<!tpu.dma_semaphore, #tpu.memory_space<semaphore_mem>>) {add = true}
    %dma_start3A_136 = arith.constant 1 : i32
    %dma_start3A_137 = arith.constant 0 : i32
    %dma_start3A_138 = tpu.memref_slice %arg7[%dma_start3A_136, %dma_start3A_137] : memref<40x125xi32, #tpu.memory_space<vmem>> -> memref<1x125xi32, #tpu.memory_space<vmem>>
    %dma_start3A_139 = tpu.memref_squeeze %dma_start3A_138 : memref<1x125xi32, #tpu.memory_space<vmem>> -> memref<125xi32, #tpu.memory_space<vmem>>
    %dma_start3A_140 = arith.constant 0 : i32
    %dma_start3A_141 = arith.constant 0 : i32
    %dma_start3A_142 = tpu.memref_slice %arg2[%dma_start3A_140, %dma_start3A_141] : memref<10240x128xf32, #tpu.memory_space<hbm>> -> memref<10240x128xf32, #tpu.memory_space<hbm>>
    tpu.enqueue_indirect_dma source(%dma_start3A_142 : memref<10240x128xf32, #tpu.memory_space<hbm>>) target(%arg10 : memref<125x128xf32, #tpu.memory_space<vmem>>) offsets(%dma_start3A_139 : memref<125xi32, #tpu.memory_space<vmem>>) semaphore(%arg12 : memref<!tpu.dma_semaphore, #tpu.memory_space<semaphore_mem>>)
    %dma_wait3A_143 = arith.constant 1 : i32
    %dma_wait3A_144 = arith.constant 0 : i32
    %dma_wait3A_145 = tpu.memref_slice %arg7[%dma_wait3A_143, %dma_wait3A_144] : memref<40x125xi32, #tpu.memory_space<vmem>> -> memref<1x125xi32, #tpu.memory_space<vmem>>
    %dma_wait3A_146 = tpu.memref_squeeze %dma_wait3A_145 : memref<1x125xi32, #tpu.memory_space<vmem>> -> memref<125xi32, #tpu.memory_space<vmem>>
    %dma_wait3A_147 = arith.constant 0 : i32
    %dma_wait3A_148 = arith.constant 0 : i32
    %dma_wait3A_149 = tpu.memref_slice %arg2[%dma_wait3A_147, %dma_wait3A_148] : memref<10240x128xf32, #tpu.memory_space<hbm>> -> memref<10240x128xf32, #tpu.memory_space<hbm>>
    tpu.wait_indirect_dma semaphore(%arg12 : memref<!tpu.dma_semaphore, #tpu.memory_space<semaphore_mem>>) src(%dma_wait3A_149 : memref<10240x128xf32, #tpu.memory_space<hbm>>) dst(%arg10 : memref<125x128xf32, #tpu.memory_space<vmem>>)
    %dma_start3A_150 = arith.constant 1 : i32
    %dma_start3A_151 = arith.constant 0 : i32
    %dma_start3A_152 = tpu.memref_slice %arg8[%dma_start3A_150, %dma_start3A_151] : memref<40x125xi32, #tpu.memory_space<vmem>> -> memref<1x125xi32, #tpu.memory_space<vmem>>
    %dma_start3A_153 = tpu.memref_squeeze %dma_start3A_152 : memref<1x125xi32, #tpu.memory_space<vmem>> -> memref<125xi32, #tpu.memory_space<vmem>>
    %dma_start3A_154 = arith.constant 0 : i32
    %dma_start3A_155 = arith.constant 0 : i32
    %dma_start3A_156 = tpu.memref_slice %arg11[%dma_start3A_154, %dma_start3A_155] : memref<10240x128xf32, #tpu.memory_space<vmem_shared>> -> memref<10240x128xf32, #tpu.memory_space<vmem_shared>>
    tpu.enqueue_indirect_dma source(%arg10 : memref<125x128xf32, #tpu.memory_space<vmem>>) target(%dma_start3A_156 : memref<10240x128xf32, #tpu.memory_space<vmem_shared>>) offsets(%dma_start3A_153 : memref<125xi32, #tpu.memory_space<vmem>>) semaphore(%arg13 : memref<!tpu.dma_semaphore, #tpu.memory_space<semaphore_mem>>) {add = true}
    %dma_wait3A_157 = arith.constant 0 : i32
    %dma_wait3A_158 = arith.constant 0 : i32
    %dma_wait3A_159 = tpu.memref_slice %arg8[%dma_wait3A_157, %dma_wait3A_158] : memref<40x125xi32, #tpu.memory_space<vmem>> -> memref<1x125xi32, #tpu.memory_space<vmem>>
    %dma_wait3A_160 = tpu.memref_squeeze %dma_wait3A_159 : memref<1x125xi32, #tpu.memory_space<vmem>> -> memref<125xi32, #tpu.memory_space<vmem>>
    %dma_wait3A_161 = arith.constant 0 : i32
    %dma_wait3A_162 = arith.constant 0 : i32
    %dma_wait3A_163 = tpu.memref_slice %arg11[%dma_wait3A_161, %dma_wait3A_162] : memref<10240x128xf32, #tpu.memory_space<vmem_shared>> -> memref<10240x128xf32, #tpu.memory_space<vmem_shared>>
    tpu.wait_indirect_dma semaphore(%arg13 : memref<!tpu.dma_semaphore, #tpu.memory_space<semaphore_mem>>) src(%arg9 : memref<125x128xf32, #tpu.memory_space<vmem>>) dst(%dma_wait3A_163 : memref<10240x128xf32, #tpu.memory_space<vmem_shared>>)
    %dma_start3A_164 = arith.constant 2 : i32
    %dma_start3A_165 = arith.constant 0 : i32
    %dma_start3A_166 = tpu.memref_slice %arg7[%dma_start3A_164, %dma_start3A_165] : memref<40x125xi32, #tpu.memory_space<vmem>> -> memref<1x125xi32, #tpu.memory_space<vmem>>
    %dma_start3A_167 = tpu.memref_squeeze %dma_start3A_166 : memref<1x125xi32, #tpu.memory_space<vmem>> -> memref<125xi32, #tpu.memory_space<vmem>>
    %dma_start3A_168 = arith.constant 0 : i32
    %dma_start3A_169 = arith.constant 0 : i32
    %dma_start3A_170 = tpu.memref_slice %arg2[%dma_start3A_168, %dma_start3A_169] : memref<10240x128xf32, #tpu.memory_space<hbm>> -> memref<10240x128xf32, #tpu.memory_space<hbm>>
    tpu.enqueue_indirect_dma source(%dma_start3A_170 : memref<10240x128xf32, #tpu.memory_space<hbm>>) target(%arg9 : memref<125x128xf32, #tpu.memory_space<vmem>>) offsets(%dma_start3A_167 : memref<125xi32, #tpu.memory_space<vmem>>) semaphore(%arg12 : memref<!tpu.dma_semaphore, #tpu.memory_space<semaphore_mem>>)
    %scan3A_171 = arith.constant 0 : i32
    %scan3A_172 = arith.constant 18 : i32
    %scan3A_173 = arith.addi %scan3A_171, %scan3A_172 : i32
    %scan3A_174 = arith.constant 1 : i32
    scf.for %scan3A_233 = %scan3A_171 to %scan3A_173 step %scan3A_174  : i32 {
      %mul3A_234 = arith.constant 2 : i32
      %mul3A_235 = arith.muli %scan3A_233, %mul3A_234 : i32
      %add3A = arith.constant 2 : i32
      %add3A_236 = arith.addi %add3A, %mul3A_235 : i32
      %dma_wait3A_237 = arith.constant 0 : i32
      %dma_wait3A_238 = tpu.memref_slice %arg7[%add3A_236, %dma_wait3A_237] : memref<40x125xi32, #tpu.memory_space<vmem>> -> memref<1x125xi32, #tpu.memory_space<vmem>>
      %dma_wait3A_239 = tpu.memref_squeeze %dma_wait3A_238 : memref<1x125xi32, #tpu.memory_space<vmem>> -> memref<125xi32, #tpu.memory_space<vmem>>
      %dma_wait3A_240 = arith.constant 0 : i32
      %dma_wait3A_241 = arith.constant 0 : i32
      %dma_wait3A_242 = tpu.memref_slice %arg2[%dma_wait3A_240, %dma_wait3A_241] : memref<10240x128xf32, #tpu.memory_space<hbm>> -> memref<10240x128xf32, #tpu.memory_space<hbm>>
      tpu.wait_indirect_dma semaphore(%arg12 : memref<!tpu.dma_semaphore, #tpu.memory_space<semaphore_mem>>) src(%dma_wait3A_242 : memref<10240x128xf32, #tpu.memory_space<hbm>>) dst(%arg9 : memref<125x128xf32, #tpu.memory_space<vmem>>)
      %dma_start3A_243 = arith.constant 0 : i32
      %dma_start3A_244 = tpu.memref_slice %arg8[%add3A_236, %dma_start3A_243] : memref<40x125xi32, #tpu.memory_space<vmem>> -> memref<1x125xi32, #tpu.memory_space<vmem>>
      %dma_start3A_245 = tpu.memref_squeeze %dma_start3A_244 : memref<1x125xi32, #tpu.memory_space<vmem>> -> memref<125xi32, #tpu.memory_space<vmem>>
      %dma_start3A_246 = arith.constant 0 : i32
      %dma_start3A_247 = arith.constant 0 : i32
      %dma_start3A_248 = tpu.memref_slice %arg11[%dma_start3A_246, %dma_start3A_247] : memref<10240x128xf32, #tpu.memory_space<vmem_shared>> -> memref<10240x128xf32, #tpu.memory_space<vmem_shared>>
      tpu.enqueue_indirect_dma source(%arg9 : memref<125x128xf32, #tpu.memory_space<vmem>>) target(%dma_start3A_248 : memref<10240x128xf32, #tpu.memory_space<vmem_shared>>) offsets(%dma_start3A_245 : memref<125xi32, #tpu.memory_space<vmem>>) semaphore(%arg13 : memref<!tpu.dma_semaphore, #tpu.memory_space<semaphore_mem>>) {add = true}
      %sub3A = arith.constant 1 : i32
      %sub3A_249 = arith.subi %add3A_236, %sub3A : i32
      %dma_wait3A_250 = arith.constant 0 : i32
      %dma_wait3A_251 = tpu.memref_slice %arg8[%sub3A_249, %dma_wait3A_250] : memref<40x125xi32, #tpu.memory_space<vmem>> -> memref<1x125xi32, #tpu.memory_space<vmem>>
      %dma_wait3A_252 = tpu.memref_squeeze %dma_wait3A_251 : memref<1x125xi32, #tpu.memory_space<vmem>> -> memref<125xi32, #tpu.memory_space<vmem>>
      %dma_wait3A_253 = arith.constant 0 : i32
      %dma_wait3A_254 = arith.constant 0 : i32
      %dma_wait3A_255 = tpu.memref_slice %arg11[%dma_wait3A_253, %dma_wait3A_254] : memref<10240x128xf32, #tpu.memory_space<vmem_shared>> -> memref<10240x128xf32, #tpu.memory_space<vmem_shared>>
      tpu.wait_indirect_dma semaphore(%arg13 : memref<!tpu.dma_semaphore, #tpu.memory_space<semaphore_mem>>) src(%arg10 : memref<125x128xf32, #tpu.memory_space<vmem>>) dst(%dma_wait3A_255 : memref<10240x128xf32, #tpu.memory_space<vmem_shared>>)
      %add3A_256 = arith.constant 1 : i32
      %add3A_257 = arith.addi %add3A_236, %add3A_256 : i32
      %dma_start3A_258 = arith.constant 0 : i32
      %dma_start3A_259 = tpu.memref_slice %arg7[%add3A_257, %dma_start3A_258] : memref<40x125xi32, #tpu.memory_space<vmem>> -> memref<1x125xi32, #tpu.memory_space<vmem>>
      %dma_start3A_260 = tpu.memref_squeeze %dma_start3A_259 : memref<1x125xi32, #tpu.memory_space<vmem>> -> memref<125xi32, #tpu.memory_space<vmem>>
      %dma_start3A_261 = arith.constant 0 : i32
      %dma_start3A_262 = arith.constant 0 : i32
      %dma_start3A_263 = tpu.memref_slice %arg2[%dma_start3A_261, %dma_start3A_262] : memref<10240x128xf32, #tpu.memory_space<hbm>> -> memref<10240x128xf32, #tpu.memory_space<hbm>>
      tpu.enqueue_indirect_dma source(%dma_start3A_263 : memref<10240x128xf32, #tpu.memory_space<hbm>>) target(%arg10 : memref<125x128xf32, #tpu.memory_space<vmem>>) offsets(%dma_start3A_260 : memref<125xi32, #tpu.memory_space<vmem>>) semaphore(%arg12 : memref<!tpu.dma_semaphore, #tpu.memory_space<semaphore_mem>>)
      %add3A_264 = arith.constant 1 : i32
      %add3A_265 = arith.addi %add3A_236, %add3A_264 : i32
      %dma_wait3A_266 = arith.constant 0 : i32
      %dma_wait3A_267 = tpu.memref_slice %arg7[%add3A_265, %dma_wait3A_266] : memref<40x125xi32, #tpu.memory_space<vmem>> -> memref<1x125xi32, #tpu.memory_space<vmem>>
      %dma_wait3A_268 = tpu.memref_squeeze %dma_wait3A_267 : memref<1x125xi32, #tpu.memory_space<vmem>> -> memref<125xi32, #tpu.memory_space<vmem>>
      %dma_wait3A_269 = arith.constant 0 : i32
      %dma_wait3A_270 = arith.constant 0 : i32
      %dma_wait3A_271 = tpu.memref_slice %arg2[%dma_wait3A_269, %dma_wait3A_270] : memref<10240x128xf32, #tpu.memory_space<hbm>> -> memref<10240x128xf32, #tpu.memory_space<hbm>>
      tpu.wait_indirect_dma semaphore(%arg12 : memref<!tpu.dma_semaphore, #tpu.memory_space<semaphore_mem>>) src(%dma_wait3A_271 : memref<10240x128xf32, #tpu.memory_space<hbm>>) dst(%arg10 : memref<125x128xf32, #tpu.memory_space<vmem>>)
      %add3A_272 = arith.constant 1 : i32
      %add3A_273 = arith.addi %add3A_236, %add3A_272 : i32
      %dma_start3A_274 = arith.constant 0 : i32
      %dma_start3A_275 = tpu.memref_slice %arg8[%add3A_273, %dma_start3A_274] : memref<40x125xi32, #tpu.memory_space<vmem>> -> memref<1x125xi32, #tpu.memory_space<vmem>>
      %dma_start3A_276 = tpu.memref_squeeze %dma_start3A_275 : memref<1x125xi32, #tpu.memory_space<vmem>> -> memref<125xi32, #tpu.memory_space<vmem>>
      %dma_start3A_277 = arith.constant 0 : i32
      %dma_start3A_278 = arith.constant 0 : i32
      %dma_start3A_279 = tpu.memref_slice %arg11[%dma_start3A_277, %dma_start3A_278] : memref<10240x128xf32, #tpu.memory_space<vmem_shared>> -> memref<10240x128xf32, #tpu.memory_space<vmem_shared>>
      tpu.enqueue_indirect_dma source(%arg10 : memref<125x128xf32, #tpu.memory_space<vmem>>) target(%dma_start3A_279 : memref<10240x128xf32, #tpu.memory_space<vmem_shared>>) offsets(%dma_start3A_276 : memref<125xi32, #tpu.memory_space<vmem>>) semaphore(%arg13 : memref<!tpu.dma_semaphore, #tpu.memory_space<semaphore_mem>>) {add = true}
      %dma_wait3A_280 = arith.constant 0 : i32
      %dma_wait3A_281 = tpu.memref_slice %arg8[%add3A_236, %dma_wait3A_280] : memref<40x125xi32, #tpu.memory_space<vmem>> -> memref<1x125xi32, #tpu.memory_space<vmem>>
      %dma_wait3A_282 = tpu.memref_squeeze %dma_wait3A_281 : memref<1x125xi32, #tpu.memory_space<vmem>> -> memref<125xi32, #tpu.memory_space<vmem>>
      %dma_wait3A_283 = arith.constant 0 : i32
      %dma_wait3A_284 = arith.constant 0 : i32
      %dma_wait3A_285 = tpu.memref_slice %arg11[%dma_wait3A_283, %dma_wait3A_284] : memref<10240x128xf32, #tpu.memory_space<vmem_shared>> -> memref<10240x128xf32, #tpu.memory_space<vmem_shared>>
      tpu.wait_indirect_dma semaphore(%arg13 : memref<!tpu.dma_semaphore, #tpu.memory_space<semaphore_mem>>) src(%arg9 : memref<125x128xf32, #tpu.memory_space<vmem>>) dst(%dma_wait3A_285 : memref<10240x128xf32, #tpu.memory_space<vmem_shared>>)
      %add3A_286 = arith.constant 2 : i32
      %add3A_287 = arith.addi %add3A_236, %add3A_286 : i32
      %dma_start3A_288 = arith.constant 0 : i32
      %dma_start3A_289 = tpu.memref_slice %arg7[%add3A_287, %dma_start3A_288] : memref<40x125xi32, #tpu.memory_space<vmem>> -> memref<1x125xi32, #tpu.memory_space<vmem>>
      %dma_start3A_290 = tpu.memref_squeeze %dma_start3A_289 : memref<1x125xi32, #tpu.memory_space<vmem>> -> memref<125xi32, #tpu.memory_space<vmem>>
      %dma_start3A_291 = arith.constant 0 : i32
      %dma_start3A_292 = arith.constant 0 : i32
      %dma_start3A_293 = tpu.memref_slice %arg2[%dma_start3A_291, %dma_start3A_292] : memref<10240x128xf32, #tpu.memory_space<hbm>> -> memref<10240x128xf32, #tpu.memory_space<hbm>>
      tpu.enqueue_indirect_dma source(%dma_start3A_293 : memref<10240x128xf32, #tpu.memory_space<hbm>>) target(%arg9 : memref<125x128xf32, #tpu.memory_space<vmem>>) offsets(%dma_start3A_290 : memref<125xi32, #tpu.memory_space<vmem>>) semaphore(%arg12 : memref<!tpu.dma_semaphore, #tpu.memory_space<semaphore_mem>>)
    }
    %scan3A_175 = arith.constant 18 : i32
    %dma_wait3A_176 = arith.constant 38 : i32
    %dma_wait3A_177 = arith.constant 0 : i32
    %dma_wait3A_178 = tpu.memref_slice %arg7[%dma_wait3A_176, %dma_wait3A_177] : memref<40x125xi32, #tpu.memory_space<vmem>> -> memref<1x125xi32, #tpu.memory_space<vmem>>
    %dma_wait3A_179 = tpu.memref_squeeze %dma_wait3A_178 : memref<1x125xi32, #tpu.memory_space<vmem>> -> memref<125xi32, #tpu.memory_space<vmem>>
    %dma_wait3A_180 = arith.constant 0 : i32
    %dma_wait3A_181 = arith.constant 0 : i32
    %dma_wait3A_182 = tpu.memref_slice %arg2[%dma_wait3A_180, %dma_wait3A_181] : memref<10240x128xf32, #tpu.memory_space<hbm>> -> memref<10240x128xf32, #tpu.memory_space<hbm>>
    tpu.wait_indirect_dma semaphore(%arg12 : memref<!tpu.dma_semaphore, #tpu.memory_space<semaphore_mem>>) src(%dma_wait3A_182 : memref<10240x128xf32, #tpu.memory_space<hbm>>) dst(%arg9 : memref<125x128xf32, #tpu.memory_space<vmem>>)
    %dma_start3A_183 = arith.constant 38 : i32
    %dma_start3A_184 = arith.constant 0 : i32
    %dma_start3A_185 = tpu.memref_slice %arg8[%dma_start3A_183, %dma_start3A_184] : memref<40x125xi32, #tpu.memory_space<vmem>> -> memref<1x125xi32, #tpu.memory_space<vmem>>
    %dma_start3A_186 = tpu.memref_squeeze %dma_start3A_185 : memref<1x125xi32, #tpu.memory_space<vmem>> -> memref<125xi32, #tpu.memory_space<vmem>>
    %dma_start3A_187 = arith.constant 0 : i32
    %dma_start3A_188 = arith.constant 0 : i32
    %dma_start3A_189 = tpu.memref_slice %arg11[%dma_start3A_187, %dma_start3A_188] : memref<10240x128xf32, #tpu.memory_space<vmem_shared>> -> memref<10240x128xf32, #tpu.memory_space<vmem_shared>>
    tpu.enqueue_indirect_dma source(%arg9 : memref<125x128xf32, #tpu.memory_space<vmem>>) target(%dma_start3A_189 : memref<10240x128xf32, #tpu.memory_space<vmem_shared>>) offsets(%dma_start3A_186 : memref<125xi32, #tpu.memory_space<vmem>>) semaphore(%arg13 : memref<!tpu.dma_semaphore, #tpu.memory_space<semaphore_mem>>) {add = true}
    %dma_wait3A_190 = arith.constant 37 : i32
    %dma_wait3A_191 = arith.constant 0 : i32
    %dma_wait3A_192 = tpu.memref_slice %arg8[%dma_wait3A_190, %dma_wait3A_191] : memref<40x125xi32, #tpu.memory_space<vmem>> -> memref<1x125xi32, #tpu.memory_space<vmem>>
    %dma_wait3A_193 = tpu.memref_squeeze %dma_wait3A_192 : memref<1x125xi32, #tpu.memory_space<vmem>> -> memref<125xi32, #tpu.memory_space<vmem>>
    %dma_wait3A_194 = arith.constant 0 : i32
    %dma_wait3A_195 = arith.constant 0 : i32
    %dma_wait3A_196 = tpu.memref_slice %arg11[%dma_wait3A_194, %dma_wait3A_195] : memref<10240x128xf32, #tpu.memory_space<vmem_shared>> -> memref<10240x128xf32, #tpu.memory_space<vmem_shared>>
    tpu.wait_indirect_dma semaphore(%arg13 : memref<!tpu.dma_semaphore, #tpu.memory_space<semaphore_mem>>) src(%arg10 : memref<125x128xf32, #tpu.memory_space<vmem>>) dst(%dma_wait3A_196 : memref<10240x128xf32, #tpu.memory_space<vmem_shared>>)
    %dma_start3A_197 = arith.constant 39 : i32
    %dma_start3A_198 = arith.constant 0 : i32
    %dma_start3A_199 = tpu.memref_slice %arg7[%dma_start3A_197, %dma_start3A_198] : memref<40x125xi32, #tpu.memory_space<vmem>> -> memref<1x125xi32, #tpu.memory_space<vmem>>
    %dma_start3A_200 = tpu.memref_squeeze %dma_start3A_199 : memref<1x125xi32, #tpu.memory_space<vmem>> -> memref<125xi32, #tpu.memory_space<vmem>>
    %dma_start3A_201 = arith.constant 0 : i32
    %dma_start3A_202 = arith.constant 0 : i32
    %dma_start3A_203 = tpu.memref_slice %arg2[%dma_start3A_201, %dma_start3A_202] : memref<10240x128xf32, #tpu.memory_space<hbm>> -> memref<10240x128xf32, #tpu.memory_space<hbm>>
    tpu.enqueue_indirect_dma source(%dma_start3A_203 : memref<10240x128xf32, #tpu.memory_space<hbm>>) target(%arg10 : memref<125x128xf32, #tpu.memory_space<vmem>>) offsets(%dma_start3A_200 : memref<125xi32, #tpu.memory_space<vmem>>) semaphore(%arg12 : memref<!tpu.dma_semaphore, #tpu.memory_space<semaphore_mem>>)
    %dma_wait3A_204 = arith.constant 39 : i32
    %dma_wait3A_205 = arith.constant 0 : i32
    %dma_wait3A_206 = tpu.memref_slice %arg7[%dma_wait3A_204, %dma_wait3A_205] : memref<40x125xi32, #tpu.memory_space<vmem>> -> memref<1x125xi32, #tpu.memory_space<vmem>>
    %dma_wait3A_207 = tpu.memref_squeeze %dma_wait3A_206 : memref<1x125xi32, #tpu.memory_space<vmem>> -> memref<125xi32, #tpu.memory_space<vmem>>
    %dma_wait3A_208 = arith.constant 0 : i32
    %dma_wait3A_209 = arith.constant 0 : i32
    %dma_wait3A_210 = tpu.memref_slice %arg2[%dma_wait3A_208, %dma_wait3A_209] : memref<10240x128xf32, #tpu.memory_space<hbm>> -> memref<10240x128xf32, #tpu.memory_space<hbm>>
    tpu.wait_indirect_dma semaphore(%arg12 : memref<!tpu.dma_semaphore, #tpu.memory_space<semaphore_mem>>) src(%dma_wait3A_210 : memref<10240x128xf32, #tpu.memory_space<hbm>>) dst(%arg10 : memref<125x128xf32, #tpu.memory_space<vmem>>)
    %dma_start3A_211 = arith.constant 39 : i32
    %dma_start3A_212 = arith.constant 0 : i32
    %dma_start3A_213 = tpu.memref_slice %arg8[%dma_start3A_211, %dma_start3A_212] : memref<40x125xi32, #tpu.memory_space<vmem>> -> memref<1x125xi32, #tpu.memory_space<vmem>>
    %dma_start3A_214 = tpu.memref_squeeze %dma_start3A_213 : memref<1x125xi32, #tpu.memory_space<vmem>> -> memref<125xi32, #tpu.memory_space<vmem>>
    %dma_start3A_215 = arith.constant 0 : i32
    %dma_start3A_216 = arith.constant 0 : i32
    %dma_start3A_217 = tpu.memref_slice %arg11[%dma_start3A_215, %dma_start3A_216] : memref<10240x128xf32, #tpu.memory_space<vmem_shared>> -> memref<10240x128xf32, #tpu.memory_space<vmem_shared>>
    tpu.enqueue_indirect_dma source(%arg10 : memref<125x128xf32, #tpu.memory_space<vmem>>) target(%dma_start3A_217 : memref<10240x128xf32, #tpu.memory_space<vmem_shared>>) offsets(%dma_start3A_214 : memref<125xi32, #tpu.memory_space<vmem>>) semaphore(%arg13 : memref<!tpu.dma_semaphore, #tpu.memory_space<semaphore_mem>>) {add = true}
    %dma_wait3A_218 = arith.constant 38 : i32
    %dma_wait3A_219 = arith.constant 0 : i32
    %dma_wait3A_220 = tpu.memref_slice %arg8[%dma_wait3A_218, %dma_wait3A_219] : memref<40x125xi32, #tpu.memory_space<vmem>> -> memref<1x125xi32, #tpu.memory_space<vmem>>
    %dma_wait3A_221 = tpu.memref_squeeze %dma_wait3A_220 : memref<1x125xi32, #tpu.memory_space<vmem>> -> memref<125xi32, #tpu.memory_space<vmem>>
    %dma_wait3A_222 = arith.constant 0 : i32
    %dma_wait3A_223 = arith.constant 0 : i32
    %dma_wait3A_224 = tpu.memref_slice %arg11[%dma_wait3A_222, %dma_wait3A_223] : memref<10240x128xf32, #tpu.memory_space<vmem_shared>> -> memref<10240x128xf32, #tpu.memory_space<vmem_shared>>
    tpu.wait_indirect_dma semaphore(%arg13 : memref<!tpu.dma_semaphore, #tpu.memory_space<semaphore_mem>>) src(%arg9 : memref<125x128xf32, #tpu.memory_space<vmem>>) dst(%dma_wait3A_224 : memref<10240x128xf32, #tpu.memory_space<vmem_shared>>)
    %dma_wait3A_225 = arith.constant 39 : i32
    %dma_wait3A_226 = arith.constant 0 : i32
    %dma_wait3A_227 = tpu.memref_slice %arg8[%dma_wait3A_225, %dma_wait3A_226] : memref<40x125xi32, #tpu.memory_space<vmem>> -> memref<1x125xi32, #tpu.memory_space<vmem>>
    %dma_wait3A_228 = tpu.memref_squeeze %dma_wait3A_227 : memref<1x125xi32, #tpu.memory_space<vmem>> -> memref<125xi32, #tpu.memory_space<vmem>>
    %dma_wait3A_229 = arith.constant 0 : i32
    %dma_wait3A_230 = arith.constant 0 : i32
    %dma_wait3A_231 = tpu.memref_slice %arg11[%dma_wait3A_229, %dma_wait3A_230] : memref<10240x128xf32, #tpu.memory_space<vmem_shared>> -> memref<10240x128xf32, #tpu.memory_space<vmem_shared>>
    tpu.wait_indirect_dma semaphore(%arg13 : memref<!tpu.dma_semaphore, #tpu.memory_space<semaphore_mem>>) src(%arg10 : memref<125x128xf32, #tpu.memory_space<vmem>>) dst(%dma_wait3A_231 : memref<10240x128xf32, #tpu.memory_space<vmem_shared>>)
    %barrier3A_232 = arith.constant 0 : index
    tpu.barrier barrier_id(%barrier3A_232)
    "tpu.region"() ({
      %run_scoped3A = tpu.sem_alloc : memref<!tpu.dma_semaphore, #tpu.memory_space<semaphore_mem>>
      %dma_start3A_233 = arith.constant 0 : i32
      %dma_start3A_234 = tpu.memref_slice %arg6[%arg0, %mul3A_0, %dma_start3A_233] : memref<2x10240x128xf32, #tpu.memory_space<hbm>> -> memref<1x640x128xf32, #tpu.memory_space<hbm>>
      %dma_start3A_235 = tpu.memref_squeeze %dma_start3A_234 : memref<1x640x128xf32, #tpu.memory_space<hbm>> -> memref<640x128xf32, #tpu.memory_space<hbm>>
      %dma_start3A_236 = arith.constant 0 : i32
      %dma_start3A_237 = tpu.memref_slice %arg11[%mul3A_0, %dma_start3A_236] : memref<10240x128xf32, #tpu.memory_space<vmem_shared>> -> memref<640x128xf32, #tpu.memory_space<vmem_shared>>
      tpu.enqueue_dma source(%dma_start3A_237 : memref<640x128xf32, #tpu.memory_space<vmem_shared>>) target(%dma_start3A_235 : memref<640x128xf32, #tpu.memory_space<hbm>>) target_semaphore(%run_scoped3A : memref<!tpu.dma_semaphore, #tpu.memory_space<semaphore_mem>>)
      %dma_wait3A_238 = arith.constant 0 : i32
      %dma_wait3A_239 = tpu.memref_slice %arg6[%arg0, %mul3A_0, %dma_wait3A_238] : memref<2x10240x128xf32, #tpu.memory_space<hbm>> -> memref<1x640x128xf32, #tpu.memory_space<hbm>>
      %dma_wait3A_240 = tpu.memref_squeeze %dma_wait3A_239 : memref<1x640x128xf32, #tpu.memory_space<hbm>> -> memref<640x128xf32, #tpu.memory_space<hbm>>
      %dma_wait3A_241 = arith.constant 0 : i32
      %dma_wait3A_242 = tpu.memref_slice %arg11[%mul3A_0, %dma_wait3A_241] : memref<10240x128xf32, #tpu.memory_space<vmem_shared>> -> memref<640x128xf32, #tpu.memory_space<vmem_shared>>
      tpu.wait_dma2 semaphore(%run_scoped3A : memref<!tpu.dma_semaphore, #tpu.memory_space<semaphore_mem>>) src(%dma_wait3A_242 : memref<640x128xf32, #tpu.memory_space<vmem_shared>>) dst(%dma_wait3A_240 : memref<640x128xf32, #tpu.memory_space<hbm>>)
      tpu.yield
    }) : () -> ()
    return
  }
}

#map = affine_map<(d0, d1) -> (0, 0)>
#map1 = affine_map<(d0, d1) -> (0, 0, 0, 0)>
#map2 = affine_map<(d0, d1) -> (0, 0, 0)>
module attributes {stable_mosaic.version = 14 : i64} {
  func.func @edge_scatter(%arg0: i32, %arg1: i32, %arg2: memref<10000x128xf32, #tpu.memory_space<hbm>>, %arg3: memref<2x16x80x125xi32, #tpu.memory_space<hbm>>, %arg4: memref<2x16x80x125xi32, #tpu.memory_space<hbm>>, %arg5: memref<640x128xf32, #tpu.memory_space<hbm>>, %arg6: memref<2x10240x128xf32, #tpu.memory_space<hbm>>, %arg7: memref<40x125xi32, #tpu.memory_space<vmem>>, %arg8: memref<40x125xi32, #tpu.memory_space<vmem>>, %arg9: memref<125x128xf32, #tpu.memory_space<vmem>>, %arg10: memref<125x128xf32, #tpu.memory_space<vmem>>, %arg11: memref<10240x128xf32, #tpu.memory_space<vmem_shared>>, %arg12: memref<!tpu.dma_semaphore, #tpu.memory_space<semaphore_mem>>, %arg13: memref<!tpu.dma_semaphore, #tpu.memory_space<semaphore_mem>>) attributes {dimension_semantics = [#tpu.dimension_semantics<core_parallel>, #tpu.dimension_semantics<subcore_parallel>], iteration_bounds = array<i64: 2, 16>, scalar_prefetch = 0 : i64, scratch_operands = 7 : i64, tpu.core_type = #tpu.core_type<sc_vector_subcore>, window_params = [{transform_indices = #map}, {transform_indices = #map1}, {transform_indices = #map1}, {transform_indices = #map}, {transform_indices = #map2}]} {
    %mul3A = arith.constant 640 : i32
    %mul3A_0 = arith.muli %arg1, %mul3A : i32
    "tpu.region"() ({
      %run_scoped3A = tpu.sem_alloc : memref<!tpu.dma_semaphore, #tpu.memory_space<semaphore_mem>>
      %dma_start3A_233 = arith.constant 0 : i32
      %dma_start3A_234 = tpu.memref_slice %arg11[%mul3A_0, %dma_start3A_233] : memref<10240x128xf32, #tpu.memory_space<vmem_shared>> -> memref<640x128xf32, #tpu.memory_space<vmem_shared>>
      tpu.enqueue_dma source(%arg5 : memref<640x128xf32, #tpu.memory_space<hbm>>) target(%dma_start3A_234 : memref<640x128xf32, #tpu.memory_space<vmem_shared>>) target_semaphore(%run_scoped3A : memref<!tpu.dma_semaphore, #tpu.memory_space<semaphore_mem>>)
      %dma_wait3A_235 = arith.constant 0 : i32
      %dma_wait3A_236 = tpu.memref_slice %arg11[%mul3A_0, %dma_wait3A_235] : memref<10240x128xf32, #tpu.memory_space<vmem_shared>> -> memref<640x128xf32, #tpu.memory_space<vmem_shared>>
      tpu.wait_dma2 semaphore(%run_scoped3A : memref<!tpu.dma_semaphore, #tpu.memory_space<semaphore_mem>>) src(%arg5 : memref<640x128xf32, #tpu.memory_space<hbm>>) dst(%dma_wait3A_236 : memref<640x128xf32, #tpu.memory_space<vmem_shared>>)
      tpu.yield
    }) : () -> ()
    "tpu.region"() ({
      %run_scoped3A = tpu.sem_alloc : memref<!tpu.dma_semaphore, #tpu.memory_space<semaphore_mem>>
      %dma_start3A_233 = arith.constant 0 : i32
      %dma_start3A_234 = arith.constant 0 : i32
      %dma_start3A_235 = tpu.memref_slice %arg3[%arg0, %arg1, %dma_start3A_233, %dma_start3A_234] : memref<2x16x80x125xi32, #tpu.memory_space<hbm>> -> memref<1x1x40x125xi32, #tpu.memory_space<hbm>>
      %dma_start3A_236 = tpu.memref_squeeze %dma_start3A_235 : memref<1x1x40x125xi32, #tpu.memory_space<hbm>> -> memref<40x125xi32, #tpu.memory_space<hbm>>
      %dma_start3A_237 = arith.constant 0 : i32
      %dma_start3A_238 = arith.constant 0 : i32
      %dma_start3A_239 = tpu.memref_slice %arg3[%arg0, %arg1, %dma_start3A_237, %dma_start3A_238] : memref<2x16x80x125xi32, #tpu.memory_space<hbm>> -> memref<1x1x40x125xi32, #tpu.memory_space<hbm>>
      %dma_start3A_240 = tpu.memref_squeeze %dma_start3A_239 : memref<1x1x40x125xi32, #tpu.memory_space<hbm>> -> memref<40x125xi32, #tpu.memory_space<hbm>>
      tpu.enqueue_dma source(%dma_start3A_240 : memref<40x125xi32, #tpu.memory_space<hbm>>) target(%arg7 : memref<40x125xi32, #tpu.memory_space<vmem>>) target_semaphore(%run_scoped3A : memref<!tpu.dma_semaphore, #tpu.memory_space<semaphore_mem>>)
      %dma_wait3A_241 = arith.constant 0 : i32
      %dma_wait3A_242 = arith.constant 0 : i32
      %dma_wait3A_243 = tpu.memref_slice %arg3[%arg0, %arg1, %dma_wait3A_241, %dma_wait3A_242] : memref<2x16x80x125xi32, #tpu.memory_space<hbm>> -> memref<1x1x40x125xi32, #tpu.memory_space<hbm>>
      %dma_wait3A_244 = tpu.memref_squeeze %dma_wait3A_243 : memref<1x1x40x125xi32, #tpu.memory_space<hbm>> -> memref<40x125xi32, #tpu.memory_space<hbm>>
      %dma_wait3A_245 = arith.constant 0 : i32
      %dma_wait3A_246 = arith.constant 0 : i32
      %dma_wait3A_247 = tpu.memref_slice %arg3[%arg0, %arg1, %dma_wait3A_245, %dma_wait3A_246] : memref<2x16x80x125xi32, #tpu.memory_space<hbm>> -> memref<1x1x40x125xi32, #tpu.memory_space<hbm>>
      %dma_wait3A_248 = tpu.memref_squeeze %dma_wait3A_247 : memref<1x1x40x125xi32, #tpu.memory_space<hbm>> -> memref<40x125xi32, #tpu.memory_space<hbm>>
      tpu.wait_dma2 semaphore(%run_scoped3A : memref<!tpu.dma_semaphore, #tpu.memory_space<semaphore_mem>>) src(%dma_wait3A_248 : memref<40x125xi32, #tpu.memory_space<hbm>>) dst(%arg7 : memref<40x125xi32, #tpu.memory_space<vmem>>)
      tpu.yield
    }) : () -> ()
    "tpu.region"() ({
      %run_scoped3A = tpu.sem_alloc : memref<!tpu.dma_semaphore, #tpu.memory_space<semaphore_mem>>
      %dma_start3A_233 = arith.constant 0 : i32
      %dma_start3A_234 = arith.constant 0 : i32
      %dma_start3A_235 = tpu.memref_slice %arg4[%arg0, %arg1, %dma_start3A_233, %dma_start3A_234] : memref<2x16x80x125xi32, #tpu.memory_space<hbm>> -> memref<1x1x40x125xi32, #tpu.memory_space<hbm>>
      %dma_start3A_236 = tpu.memref_squeeze %dma_start3A_235 : memref<1x1x40x125xi32, #tpu.memory_space<hbm>> -> memref<40x125xi32, #tpu.memory_space<hbm>>
      %dma_start3A_237 = arith.constant 0 : i32
      %dma_start3A_238 = arith.constant 0 : i32
      %dma_start3A_239 = tpu.memref_slice %arg4[%arg0, %arg1, %dma_start3A_237, %dma_start3A_238] : memref<2x16x80x125xi32, #tpu.memory_space<hbm>> -> memref<1x1x40x125xi32, #tpu.memory_space<hbm>>
      %dma_start3A_240 = tpu.memref_squeeze %dma_start3A_239 : memref<1x1x40x125xi32, #tpu.memory_space<hbm>> -> memref<40x125xi32, #tpu.memory_space<hbm>>
      tpu.enqueue_dma source(%dma_start3A_240 : memref<40x125xi32, #tpu.memory_space<hbm>>) target(%arg8 : memref<40x125xi32, #tpu.memory_space<vmem>>) target_semaphore(%run_scoped3A : memref<!tpu.dma_semaphore, #tpu.memory_space<semaphore_mem>>)
      %dma_wait3A_241 = arith.constant 0 : i32
      %dma_wait3A_242 = arith.constant 0 : i32
      %dma_wait3A_243 = tpu.memref_slice %arg4[%arg0, %arg1, %dma_wait3A_241, %dma_wait3A_242] : memref<2x16x80x125xi32, #tpu.memory_space<hbm>> -> memref<1x1x40x125xi32, #tpu.memory_space<hbm>>
      %dma_wait3A_244 = tpu.memref_squeeze %dma_wait3A_243 : memref<1x1x40x125xi32, #tpu.memory_space<hbm>> -> memref<40x125xi32, #tpu.memory_space<hbm>>
      %dma_wait3A_245 = arith.constant 0 : i32
      %dma_wait3A_246 = arith.constant 0 : i32
      %dma_wait3A_247 = tpu.memref_slice %arg4[%arg0, %arg1, %dma_wait3A_245, %dma_wait3A_246] : memref<2x16x80x125xi32, #tpu.memory_space<hbm>> -> memref<1x1x40x125xi32, #tpu.memory_space<hbm>>
      %dma_wait3A_248 = tpu.memref_squeeze %dma_wait3A_247 : memref<1x1x40x125xi32, #tpu.memory_space<hbm>> -> memref<40x125xi32, #tpu.memory_space<hbm>>
      tpu.wait_dma2 semaphore(%run_scoped3A : memref<!tpu.dma_semaphore, #tpu.memory_space<semaphore_mem>>) src(%dma_wait3A_248 : memref<40x125xi32, #tpu.memory_space<hbm>>) dst(%arg8 : memref<40x125xi32, #tpu.memory_space<vmem>>)
      tpu.yield
    }) : () -> ()
    %barrier3A = arith.constant 0 : index
    tpu.barrier barrier_id(%barrier3A)
    %dma_start3A = arith.constant 0 : i32
    %dma_start3A_1 = arith.constant 0 : i32
    %dma_start3A_2 = tpu.memref_slice %arg7[%dma_start3A, %dma_start3A_1] : memref<40x125xi32, #tpu.memory_space<vmem>> -> memref<1x125xi32, #tpu.memory_space<vmem>>
    %dma_start3A_3 = tpu.memref_squeeze %dma_start3A_2 : memref<1x125xi32, #tpu.memory_space<vmem>> -> memref<125xi32, #tpu.memory_space<vmem>>
    %dma_start3A_4 = arith.constant 0 : i32
    %dma_start3A_5 = arith.constant 0 : i32
    %dma_start3A_6 = tpu.memref_slice %arg2[%dma_start3A_4, %dma_start3A_5] : memref<10000x128xf32, #tpu.memory_space<hbm>> -> memref<10000x128xf32, #tpu.memory_space<hbm>>
    tpu.enqueue_indirect_dma source(%dma_start3A_6 : memref<10000x128xf32, #tpu.memory_space<hbm>>) target(%arg9 : memref<125x128xf32, #tpu.memory_space<vmem>>) offsets(%dma_start3A_3 : memref<125xi32, #tpu.memory_space<vmem>>) semaphore(%arg12 : memref<!tpu.dma_semaphore, #tpu.memory_space<semaphore_mem>>)
    %dma_wait3A = arith.constant 0 : i32
    %dma_wait3A_7 = arith.constant 0 : i32
    %dma_wait3A_8 = tpu.memref_slice %arg7[%dma_wait3A, %dma_wait3A_7] : memref<40x125xi32, #tpu.memory_space<vmem>> -> memref<1x125xi32, #tpu.memory_space<vmem>>
    %dma_wait3A_9 = tpu.memref_squeeze %dma_wait3A_8 : memref<1x125xi32, #tpu.memory_space<vmem>> -> memref<125xi32, #tpu.memory_space<vmem>>
    %dma_wait3A_10 = arith.constant 0 : i32
    %dma_wait3A_11 = arith.constant 0 : i32
    %dma_wait3A_12 = tpu.memref_slice %arg2[%dma_wait3A_10, %dma_wait3A_11] : memref<10000x128xf32, #tpu.memory_space<hbm>> -> memref<10000x128xf32, #tpu.memory_space<hbm>>
    tpu.wait_indirect_dma semaphore(%arg12 : memref<!tpu.dma_semaphore, #tpu.memory_space<semaphore_mem>>) src(%dma_wait3A_12 : memref<10000x128xf32, #tpu.memory_space<hbm>>) dst(%arg9 : memref<125x128xf32, #tpu.memory_space<vmem>>)
    %dma_start3A_13 = arith.constant 0 : i32
    %dma_start3A_14 = arith.constant 0 : i32
    %dma_start3A_15 = tpu.memref_slice %arg8[%dma_start3A_13, %dma_start3A_14] : memref<40x125xi32, #tpu.memory_space<vmem>> -> memref<1x125xi32, #tpu.memory_space<vmem>>
    %dma_start3A_16 = tpu.memref_squeeze %dma_start3A_15 : memref<1x125xi32, #tpu.memory_space<vmem>> -> memref<125xi32, #tpu.memory_space<vmem>>
    %dma_start3A_17 = arith.constant 0 : i32
    %dma_start3A_18 = arith.constant 0 : i32
    %dma_start3A_19 = tpu.memref_slice %arg11[%dma_start3A_17, %dma_start3A_18] : memref<10240x128xf32, #tpu.memory_space<vmem_shared>> -> memref<10240x128xf32, #tpu.memory_space<vmem_shared>>
    tpu.enqueue_indirect_dma source(%arg9 : memref<125x128xf32, #tpu.memory_space<vmem>>) target(%dma_start3A_19 : memref<10240x128xf32, #tpu.memory_space<vmem_shared>>) offsets(%dma_start3A_16 : memref<125xi32, #tpu.memory_space<vmem>>) semaphore(%arg13 : memref<!tpu.dma_semaphore, #tpu.memory_space<semaphore_mem>>) {add = true}
    %dma_start3A_20 = arith.constant 1 : i32
    %dma_start3A_21 = arith.constant 0 : i32
    %dma_start3A_22 = tpu.memref_slice %arg7[%dma_start3A_20, %dma_start3A_21] : memref<40x125xi32, #tpu.memory_space<vmem>> -> memref<1x125xi32, #tpu.memory_space<vmem>>
    %dma_start3A_23 = tpu.memref_squeeze %dma_start3A_22 : memref<1x125xi32, #tpu.memory_space<vmem>> -> memref<125xi32, #tpu.memory_space<vmem>>
    %dma_start3A_24 = arith.constant 0 : i32
    %dma_start3A_25 = arith.constant 0 : i32
    %dma_start3A_26 = tpu.memref_slice %arg2[%dma_start3A_24, %dma_start3A_25] : memref<10000x128xf32, #tpu.memory_space<hbm>> -> memref<10000x128xf32, #tpu.memory_space<hbm>>
    tpu.enqueue_indirect_dma source(%dma_start3A_26 : memref<10000x128xf32, #tpu.memory_space<hbm>>) target(%arg10 : memref<125x128xf32, #tpu.memory_space<vmem>>) offsets(%dma_start3A_23 : memref<125xi32, #tpu.memory_space<vmem>>) semaphore(%arg12 : memref<!tpu.dma_semaphore, #tpu.memory_space<semaphore_mem>>)
    %dma_wait3A_27 = arith.constant 1 : i32
    %dma_wait3A_28 = arith.constant 0 : i32
    %dma_wait3A_29 = tpu.memref_slice %arg7[%dma_wait3A_27, %dma_wait3A_28] : memref<40x125xi32, #tpu.memory_space<vmem>> -> memref<1x125xi32, #tpu.memory_space<vmem>>
    %dma_wait3A_30 = tpu.memref_squeeze %dma_wait3A_29 : memref<1x125xi32, #tpu.memory_space<vmem>> -> memref<125xi32, #tpu.memory_space<vmem>>
    %dma_wait3A_31 = arith.constant 0 : i32
    %dma_wait3A_32 = arith.constant 0 : i32
    %dma_wait3A_33 = tpu.memref_slice %arg2[%dma_wait3A_31, %dma_wait3A_32] : memref<10000x128xf32, #tpu.memory_space<hbm>> -> memref<10000x128xf32, #tpu.memory_space<hbm>>
    tpu.wait_indirect_dma semaphore(%arg12 : memref<!tpu.dma_semaphore, #tpu.memory_space<semaphore_mem>>) src(%dma_wait3A_33 : memref<10000x128xf32, #tpu.memory_space<hbm>>) dst(%arg10 : memref<125x128xf32, #tpu.memory_space<vmem>>)
    %dma_start3A_34 = arith.constant 1 : i32
    %dma_start3A_35 = arith.constant 0 : i32
    %dma_start3A_36 = tpu.memref_slice %arg8[%dma_start3A_34, %dma_start3A_35] : memref<40x125xi32, #tpu.memory_space<vmem>> -> memref<1x125xi32, #tpu.memory_space<vmem>>
    %dma_start3A_37 = tpu.memref_squeeze %dma_start3A_36 : memref<1x125xi32, #tpu.memory_space<vmem>> -> memref<125xi32, #tpu.memory_space<vmem>>
    %dma_start3A_38 = arith.constant 0 : i32
    %dma_start3A_39 = arith.constant 0 : i32
    %dma_start3A_40 = tpu.memref_slice %arg11[%dma_start3A_38, %dma_start3A_39] : memref<10240x128xf32, #tpu.memory_space<vmem_shared>> -> memref<10240x128xf32, #tpu.memory_space<vmem_shared>>
    tpu.enqueue_indirect_dma source(%arg10 : memref<125x128xf32, #tpu.memory_space<vmem>>) target(%dma_start3A_40 : memref<10240x128xf32, #tpu.memory_space<vmem_shared>>) offsets(%dma_start3A_37 : memref<125xi32, #tpu.memory_space<vmem>>) semaphore(%arg13 : memref<!tpu.dma_semaphore, #tpu.memory_space<semaphore_mem>>) {add = true}
    %dma_wait3A_41 = arith.constant 0 : i32
    %dma_wait3A_42 = arith.constant 0 : i32
    %dma_wait3A_43 = tpu.memref_slice %arg8[%dma_wait3A_41, %dma_wait3A_42] : memref<40x125xi32, #tpu.memory_space<vmem>> -> memref<1x125xi32, #tpu.memory_space<vmem>>
    %dma_wait3A_44 = tpu.memref_squeeze %dma_wait3A_43 : memref<1x125xi32, #tpu.memory_space<vmem>> -> memref<125xi32, #tpu.memory_space<vmem>>
    %dma_wait3A_45 = arith.constant 0 : i32
    %dma_wait3A_46 = arith.constant 0 : i32
    %dma_wait3A_47 = tpu.memref_slice %arg11[%dma_wait3A_45, %dma_wait3A_46] : memref<10240x128xf32, #tpu.memory_space<vmem_shared>> -> memref<10240x128xf32, #tpu.memory_space<vmem_shared>>
    tpu.wait_indirect_dma semaphore(%arg13 : memref<!tpu.dma_semaphore, #tpu.memory_space<semaphore_mem>>) src(%arg9 : memref<125x128xf32, #tpu.memory_space<vmem>>) dst(%dma_wait3A_47 : memref<10240x128xf32, #tpu.memory_space<vmem_shared>>)
    %dma_start3A_48 = arith.constant 2 : i32
    %dma_start3A_49 = arith.constant 0 : i32
    %dma_start3A_50 = tpu.memref_slice %arg7[%dma_start3A_48, %dma_start3A_49] : memref<40x125xi32, #tpu.memory_space<vmem>> -> memref<1x125xi32, #tpu.memory_space<vmem>>
    %dma_start3A_51 = tpu.memref_squeeze %dma_start3A_50 : memref<1x125xi32, #tpu.memory_space<vmem>> -> memref<125xi32, #tpu.memory_space<vmem>>
    %dma_start3A_52 = arith.constant 0 : i32
    %dma_start3A_53 = arith.constant 0 : i32
    %dma_start3A_54 = tpu.memref_slice %arg2[%dma_start3A_52, %dma_start3A_53] : memref<10000x128xf32, #tpu.memory_space<hbm>> -> memref<10000x128xf32, #tpu.memory_space<hbm>>
    tpu.enqueue_indirect_dma source(%dma_start3A_54 : memref<10000x128xf32, #tpu.memory_space<hbm>>) target(%arg9 : memref<125x128xf32, #tpu.memory_space<vmem>>) offsets(%dma_start3A_51 : memref<125xi32, #tpu.memory_space<vmem>>) semaphore(%arg12 : memref<!tpu.dma_semaphore, #tpu.memory_space<semaphore_mem>>)
    %scan3A = arith.constant 0 : i32
    %scan3A_55 = arith.constant 18 : i32
    %scan3A_56 = arith.addi %scan3A, %scan3A_55 : i32
    %scan3A_57 = arith.constant 1 : i32
    scf.for %scan3A_233 = %scan3A to %scan3A_56 step %scan3A_57  : i32 {
      %mul3A_234 = arith.constant 2 : i32
      %mul3A_235 = arith.muli %scan3A_233, %mul3A_234 : i32
      %add3A = arith.constant 2 : i32
      %add3A_236 = arith.addi %add3A, %mul3A_235 : i32
      %dma_wait3A_237 = arith.constant 0 : i32
      %dma_wait3A_238 = tpu.memref_slice %arg7[%add3A_236, %dma_wait3A_237] : memref<40x125xi32, #tpu.memory_space<vmem>> -> memref<1x125xi32, #tpu.memory_space<vmem>>
      %dma_wait3A_239 = tpu.memref_squeeze %dma_wait3A_238 : memref<1x125xi32, #tpu.memory_space<vmem>> -> memref<125xi32, #tpu.memory_space<vmem>>
      %dma_wait3A_240 = arith.constant 0 : i32
      %dma_wait3A_241 = arith.constant 0 : i32
      %dma_wait3A_242 = tpu.memref_slice %arg2[%dma_wait3A_240, %dma_wait3A_241] : memref<10000x128xf32, #tpu.memory_space<hbm>> -> memref<10000x128xf32, #tpu.memory_space<hbm>>
      tpu.wait_indirect_dma semaphore(%arg12 : memref<!tpu.dma_semaphore, #tpu.memory_space<semaphore_mem>>) src(%dma_wait3A_242 : memref<10000x128xf32, #tpu.memory_space<hbm>>) dst(%arg9 : memref<125x128xf32, #tpu.memory_space<vmem>>)
      %dma_start3A_243 = arith.constant 0 : i32
      %dma_start3A_244 = tpu.memref_slice %arg8[%add3A_236, %dma_start3A_243] : memref<40x125xi32, #tpu.memory_space<vmem>> -> memref<1x125xi32, #tpu.memory_space<vmem>>
      %dma_start3A_245 = tpu.memref_squeeze %dma_start3A_244 : memref<1x125xi32, #tpu.memory_space<vmem>> -> memref<125xi32, #tpu.memory_space<vmem>>
      %dma_start3A_246 = arith.constant 0 : i32
      %dma_start3A_247 = arith.constant 0 : i32
      %dma_start3A_248 = tpu.memref_slice %arg11[%dma_start3A_246, %dma_start3A_247] : memref<10240x128xf32, #tpu.memory_space<vmem_shared>> -> memref<10240x128xf32, #tpu.memory_space<vmem_shared>>
      tpu.enqueue_indirect_dma source(%arg9 : memref<125x128xf32, #tpu.memory_space<vmem>>) target(%dma_start3A_248 : memref<10240x128xf32, #tpu.memory_space<vmem_shared>>) offsets(%dma_start3A_245 : memref<125xi32, #tpu.memory_space<vmem>>) semaphore(%arg13 : memref<!tpu.dma_semaphore, #tpu.memory_space<semaphore_mem>>) {add = true}
      %sub3A = arith.constant 1 : i32
      %sub3A_249 = arith.subi %add3A_236, %sub3A : i32
      %dma_wait3A_250 = arith.constant 0 : i32
      %dma_wait3A_251 = tpu.memref_slice %arg8[%sub3A_249, %dma_wait3A_250] : memref<40x125xi32, #tpu.memory_space<vmem>> -> memref<1x125xi32, #tpu.memory_space<vmem>>
      %dma_wait3A_252 = tpu.memref_squeeze %dma_wait3A_251 : memref<1x125xi32, #tpu.memory_space<vmem>> -> memref<125xi32, #tpu.memory_space<vmem>>
      %dma_wait3A_253 = arith.constant 0 : i32
      %dma_wait3A_254 = arith.constant 0 : i32
      %dma_wait3A_255 = tpu.memref_slice %arg11[%dma_wait3A_253, %dma_wait3A_254] : memref<10240x128xf32, #tpu.memory_space<vmem_shared>> -> memref<10240x128xf32, #tpu.memory_space<vmem_shared>>
      tpu.wait_indirect_dma semaphore(%arg13 : memref<!tpu.dma_semaphore, #tpu.memory_space<semaphore_mem>>) src(%arg10 : memref<125x128xf32, #tpu.memory_space<vmem>>) dst(%dma_wait3A_255 : memref<10240x128xf32, #tpu.memory_space<vmem_shared>>)
      %add3A_256 = arith.constant 1 : i32
      %add3A_257 = arith.addi %add3A_236, %add3A_256 : i32
      %dma_start3A_258 = arith.constant 0 : i32
      %dma_start3A_259 = tpu.memref_slice %arg7[%add3A_257, %dma_start3A_258] : memref<40x125xi32, #tpu.memory_space<vmem>> -> memref<1x125xi32, #tpu.memory_space<vmem>>
      %dma_start3A_260 = tpu.memref_squeeze %dma_start3A_259 : memref<1x125xi32, #tpu.memory_space<vmem>> -> memref<125xi32, #tpu.memory_space<vmem>>
      %dma_start3A_261 = arith.constant 0 : i32
      %dma_start3A_262 = arith.constant 0 : i32
      %dma_start3A_263 = tpu.memref_slice %arg2[%dma_start3A_261, %dma_start3A_262] : memref<10000x128xf32, #tpu.memory_space<hbm>> -> memref<10000x128xf32, #tpu.memory_space<hbm>>
      tpu.enqueue_indirect_dma source(%dma_start3A_263 : memref<10000x128xf32, #tpu.memory_space<hbm>>) target(%arg10 : memref<125x128xf32, #tpu.memory_space<vmem>>) offsets(%dma_start3A_260 : memref<125xi32, #tpu.memory_space<vmem>>) semaphore(%arg12 : memref<!tpu.dma_semaphore, #tpu.memory_space<semaphore_mem>>)
      %add3A_264 = arith.constant 1 : i32
      %add3A_265 = arith.addi %add3A_236, %add3A_264 : i32
      %dma_wait3A_266 = arith.constant 0 : i32
      %dma_wait3A_267 = tpu.memref_slice %arg7[%add3A_265, %dma_wait3A_266] : memref<40x125xi32, #tpu.memory_space<vmem>> -> memref<1x125xi32, #tpu.memory_space<vmem>>
      %dma_wait3A_268 = tpu.memref_squeeze %dma_wait3A_267 : memref<1x125xi32, #tpu.memory_space<vmem>> -> memref<125xi32, #tpu.memory_space<vmem>>
      %dma_wait3A_269 = arith.constant 0 : i32
      %dma_wait3A_270 = arith.constant 0 : i32
      %dma_wait3A_271 = tpu.memref_slice %arg2[%dma_wait3A_269, %dma_wait3A_270] : memref<10000x128xf32, #tpu.memory_space<hbm>> -> memref<10000x128xf32, #tpu.memory_space<hbm>>
      tpu.wait_indirect_dma semaphore(%arg12 : memref<!tpu.dma_semaphore, #tpu.memory_space<semaphore_mem>>) src(%dma_wait3A_271 : memref<10000x128xf32, #tpu.memory_space<hbm>>) dst(%arg10 : memref<125x128xf32, #tpu.memory_space<vmem>>)
      %add3A_272 = arith.constant 1 : i32
      %add3A_273 = arith.addi %add3A_236, %add3A_272 : i32
      %dma_start3A_274 = arith.constant 0 : i32
      %dma_start3A_275 = tpu.memref_slice %arg8[%add3A_273, %dma_start3A_274] : memref<40x125xi32, #tpu.memory_space<vmem>> -> memref<1x125xi32, #tpu.memory_space<vmem>>
      %dma_start3A_276 = tpu.memref_squeeze %dma_start3A_275 : memref<1x125xi32, #tpu.memory_space<vmem>> -> memref<125xi32, #tpu.memory_space<vmem>>
      %dma_start3A_277 = arith.constant 0 : i32
      %dma_start3A_278 = arith.constant 0 : i32
      %dma_start3A_279 = tpu.memref_slice %arg11[%dma_start3A_277, %dma_start3A_278] : memref<10240x128xf32, #tpu.memory_space<vmem_shared>> -> memref<10240x128xf32, #tpu.memory_space<vmem_shared>>
      tpu.enqueue_indirect_dma source(%arg10 : memref<125x128xf32, #tpu.memory_space<vmem>>) target(%dma_start3A_279 : memref<10240x128xf32, #tpu.memory_space<vmem_shared>>) offsets(%dma_start3A_276 : memref<125xi32, #tpu.memory_space<vmem>>) semaphore(%arg13 : memref<!tpu.dma_semaphore, #tpu.memory_space<semaphore_mem>>) {add = true}
      %dma_wait3A_280 = arith.constant 0 : i32
      %dma_wait3A_281 = tpu.memref_slice %arg8[%add3A_236, %dma_wait3A_280] : memref<40x125xi32, #tpu.memory_space<vmem>> -> memref<1x125xi32, #tpu.memory_space<vmem>>
      %dma_wait3A_282 = tpu.memref_squeeze %dma_wait3A_281 : memref<1x125xi32, #tpu.memory_space<vmem>> -> memref<125xi32, #tpu.memory_space<vmem>>
      %dma_wait3A_283 = arith.constant 0 : i32
      %dma_wait3A_284 = arith.constant 0 : i32
      %dma_wait3A_285 = tpu.memref_slice %arg11[%dma_wait3A_283, %dma_wait3A_284] : memref<10240x128xf32, #tpu.memory_space<vmem_shared>> -> memref<10240x128xf32, #tpu.memory_space<vmem_shared>>
      tpu.wait_indirect_dma semaphore(%arg13 : memref<!tpu.dma_semaphore, #tpu.memory_space<semaphore_mem>>) src(%arg9 : memref<125x128xf32, #tpu.memory_space<vmem>>) dst(%dma_wait3A_285 : memref<10240x128xf32, #tpu.memory_space<vmem_shared>>)
      %add3A_286 = arith.constant 2 : i32
      %add3A_287 = arith.addi %add3A_236, %add3A_286 : i32
      %dma_start3A_288 = arith.constant 0 : i32
      %dma_start3A_289 = tpu.memref_slice %arg7[%add3A_287, %dma_start3A_288] : memref<40x125xi32, #tpu.memory_space<vmem>> -> memref<1x125xi32, #tpu.memory_space<vmem>>
      %dma_start3A_290 = tpu.memref_squeeze %dma_start3A_289 : memref<1x125xi32, #tpu.memory_space<vmem>> -> memref<125xi32, #tpu.memory_space<vmem>>
      %dma_start3A_291 = arith.constant 0 : i32
      %dma_start3A_292 = arith.constant 0 : i32
      %dma_start3A_293 = tpu.memref_slice %arg2[%dma_start3A_291, %dma_start3A_292] : memref<10000x128xf32, #tpu.memory_space<hbm>> -> memref<10000x128xf32, #tpu.memory_space<hbm>>
      tpu.enqueue_indirect_dma source(%dma_start3A_293 : memref<10000x128xf32, #tpu.memory_space<hbm>>) target(%arg9 : memref<125x128xf32, #tpu.memory_space<vmem>>) offsets(%dma_start3A_290 : memref<125xi32, #tpu.memory_space<vmem>>) semaphore(%arg12 : memref<!tpu.dma_semaphore, #tpu.memory_space<semaphore_mem>>)
    }
    %scan3A_58 = arith.constant 18 : i32
    %dma_wait3A_59 = arith.constant 38 : i32
    %dma_wait3A_60 = arith.constant 0 : i32
    %dma_wait3A_61 = tpu.memref_slice %arg7[%dma_wait3A_59, %dma_wait3A_60] : memref<40x125xi32, #tpu.memory_space<vmem>> -> memref<1x125xi32, #tpu.memory_space<vmem>>
    %dma_wait3A_62 = tpu.memref_squeeze %dma_wait3A_61 : memref<1x125xi32, #tpu.memory_space<vmem>> -> memref<125xi32, #tpu.memory_space<vmem>>
    %dma_wait3A_63 = arith.constant 0 : i32
    %dma_wait3A_64 = arith.constant 0 : i32
    %dma_wait3A_65 = tpu.memref_slice %arg2[%dma_wait3A_63, %dma_wait3A_64] : memref<10000x128xf32, #tpu.memory_space<hbm>> -> memref<10000x128xf32, #tpu.memory_space<hbm>>
    tpu.wait_indirect_dma semaphore(%arg12 : memref<!tpu.dma_semaphore, #tpu.memory_space<semaphore_mem>>) src(%dma_wait3A_65 : memref<10000x128xf32, #tpu.memory_space<hbm>>) dst(%arg9 : memref<125x128xf32, #tpu.memory_space<vmem>>)
    %dma_start3A_66 = arith.constant 38 : i32
    %dma_start3A_67 = arith.constant 0 : i32
    %dma_start3A_68 = tpu.memref_slice %arg8[%dma_start3A_66, %dma_start3A_67] : memref<40x125xi32, #tpu.memory_space<vmem>> -> memref<1x125xi32, #tpu.memory_space<vmem>>
    %dma_start3A_69 = tpu.memref_squeeze %dma_start3A_68 : memref<1x125xi32, #tpu.memory_space<vmem>> -> memref<125xi32, #tpu.memory_space<vmem>>
    %dma_start3A_70 = arith.constant 0 : i32
    %dma_start3A_71 = arith.constant 0 : i32
    %dma_start3A_72 = tpu.memref_slice %arg11[%dma_start3A_70, %dma_start3A_71] : memref<10240x128xf32, #tpu.memory_space<vmem_shared>> -> memref<10240x128xf32, #tpu.memory_space<vmem_shared>>
    tpu.enqueue_indirect_dma source(%arg9 : memref<125x128xf32, #tpu.memory_space<vmem>>) target(%dma_start3A_72 : memref<10240x128xf32, #tpu.memory_space<vmem_shared>>) offsets(%dma_start3A_69 : memref<125xi32, #tpu.memory_space<vmem>>) semaphore(%arg13 : memref<!tpu.dma_semaphore, #tpu.memory_space<semaphore_mem>>) {add = true}
    %dma_wait3A_73 = arith.constant 37 : i32
    %dma_wait3A_74 = arith.constant 0 : i32
    %dma_wait3A_75 = tpu.memref_slice %arg8[%dma_wait3A_73, %dma_wait3A_74] : memref<40x125xi32, #tpu.memory_space<vmem>> -> memref<1x125xi32, #tpu.memory_space<vmem>>
    %dma_wait3A_76 = tpu.memref_squeeze %dma_wait3A_75 : memref<1x125xi32, #tpu.memory_space<vmem>> -> memref<125xi32, #tpu.memory_space<vmem>>
    %dma_wait3A_77 = arith.constant 0 : i32
    %dma_wait3A_78 = arith.constant 0 : i32
    %dma_wait3A_79 = tpu.memref_slice %arg11[%dma_wait3A_77, %dma_wait3A_78] : memref<10240x128xf32, #tpu.memory_space<vmem_shared>> -> memref<10240x128xf32, #tpu.memory_space<vmem_shared>>
    tpu.wait_indirect_dma semaphore(%arg13 : memref<!tpu.dma_semaphore, #tpu.memory_space<semaphore_mem>>) src(%arg10 : memref<125x128xf32, #tpu.memory_space<vmem>>) dst(%dma_wait3A_79 : memref<10240x128xf32, #tpu.memory_space<vmem_shared>>)
    %dma_start3A_80 = arith.constant 39 : i32
    %dma_start3A_81 = arith.constant 0 : i32
    %dma_start3A_82 = tpu.memref_slice %arg7[%dma_start3A_80, %dma_start3A_81] : memref<40x125xi32, #tpu.memory_space<vmem>> -> memref<1x125xi32, #tpu.memory_space<vmem>>
    %dma_start3A_83 = tpu.memref_squeeze %dma_start3A_82 : memref<1x125xi32, #tpu.memory_space<vmem>> -> memref<125xi32, #tpu.memory_space<vmem>>
    %dma_start3A_84 = arith.constant 0 : i32
    %dma_start3A_85 = arith.constant 0 : i32
    %dma_start3A_86 = tpu.memref_slice %arg2[%dma_start3A_84, %dma_start3A_85] : memref<10000x128xf32, #tpu.memory_space<hbm>> -> memref<10000x128xf32, #tpu.memory_space<hbm>>
    tpu.enqueue_indirect_dma source(%dma_start3A_86 : memref<10000x128xf32, #tpu.memory_space<hbm>>) target(%arg10 : memref<125x128xf32, #tpu.memory_space<vmem>>) offsets(%dma_start3A_83 : memref<125xi32, #tpu.memory_space<vmem>>) semaphore(%arg12 : memref<!tpu.dma_semaphore, #tpu.memory_space<semaphore_mem>>)
    %dma_wait3A_87 = arith.constant 39 : i32
    %dma_wait3A_88 = arith.constant 0 : i32
    %dma_wait3A_89 = tpu.memref_slice %arg7[%dma_wait3A_87, %dma_wait3A_88] : memref<40x125xi32, #tpu.memory_space<vmem>> -> memref<1x125xi32, #tpu.memory_space<vmem>>
    %dma_wait3A_90 = tpu.memref_squeeze %dma_wait3A_89 : memref<1x125xi32, #tpu.memory_space<vmem>> -> memref<125xi32, #tpu.memory_space<vmem>>
    %dma_wait3A_91 = arith.constant 0 : i32
    %dma_wait3A_92 = arith.constant 0 : i32
    %dma_wait3A_93 = tpu.memref_slice %arg2[%dma_wait3A_91, %dma_wait3A_92] : memref<10000x128xf32, #tpu.memory_space<hbm>> -> memref<10000x128xf32, #tpu.memory_space<hbm>>
    tpu.wait_indirect_dma semaphore(%arg12 : memref<!tpu.dma_semaphore, #tpu.memory_space<semaphore_mem>>) src(%dma_wait3A_93 : memref<10000x128xf32, #tpu.memory_space<hbm>>) dst(%arg10 : memref<125x128xf32, #tpu.memory_space<vmem>>)
    %dma_start3A_94 = arith.constant 39 : i32
    %dma_start3A_95 = arith.constant 0 : i32
    %dma_start3A_96 = tpu.memref_slice %arg8[%dma_start3A_94, %dma_start3A_95] : memref<40x125xi32, #tpu.memory_space<vmem>> -> memref<1x125xi32, #tpu.memory_space<vmem>>
    %dma_start3A_97 = tpu.memref_squeeze %dma_start3A_96 : memref<1x125xi32, #tpu.memory_space<vmem>> -> memref<125xi32, #tpu.memory_space<vmem>>
    %dma_start3A_98 = arith.constant 0 : i32
    %dma_start3A_99 = arith.constant 0 : i32
    %dma_start3A_100 = tpu.memref_slice %arg11[%dma_start3A_98, %dma_start3A_99] : memref<10240x128xf32, #tpu.memory_space<vmem_shared>> -> memref<10240x128xf32, #tpu.memory_space<vmem_shared>>
    tpu.enqueue_indirect_dma source(%arg10 : memref<125x128xf32, #tpu.memory_space<vmem>>) target(%dma_start3A_100 : memref<10240x128xf32, #tpu.memory_space<vmem_shared>>) offsets(%dma_start3A_97 : memref<125xi32, #tpu.memory_space<vmem>>) semaphore(%arg13 : memref<!tpu.dma_semaphore, #tpu.memory_space<semaphore_mem>>) {add = true}
    %dma_wait3A_101 = arith.constant 38 : i32
    %dma_wait3A_102 = arith.constant 0 : i32
    %dma_wait3A_103 = tpu.memref_slice %arg8[%dma_wait3A_101, %dma_wait3A_102] : memref<40x125xi32, #tpu.memory_space<vmem>> -> memref<1x125xi32, #tpu.memory_space<vmem>>
    %dma_wait3A_104 = tpu.memref_squeeze %dma_wait3A_103 : memref<1x125xi32, #tpu.memory_space<vmem>> -> memref<125xi32, #tpu.memory_space<vmem>>
    %dma_wait3A_105 = arith.constant 0 : i32
    %dma_wait3A_106 = arith.constant 0 : i32
    %dma_wait3A_107 = tpu.memref_slice %arg11[%dma_wait3A_105, %dma_wait3A_106] : memref<10240x128xf32, #tpu.memory_space<vmem_shared>> -> memref<10240x128xf32, #tpu.memory_space<vmem_shared>>
    tpu.wait_indirect_dma semaphore(%arg13 : memref<!tpu.dma_semaphore, #tpu.memory_space<semaphore_mem>>) src(%arg9 : memref<125x128xf32, #tpu.memory_space<vmem>>) dst(%dma_wait3A_107 : memref<10240x128xf32, #tpu.memory_space<vmem_shared>>)
    %dma_wait3A_108 = arith.constant 39 : i32
    %dma_wait3A_109 = arith.constant 0 : i32
    %dma_wait3A_110 = tpu.memref_slice %arg8[%dma_wait3A_108, %dma_wait3A_109] : memref<40x125xi32, #tpu.memory_space<vmem>> -> memref<1x125xi32, #tpu.memory_space<vmem>>
    %dma_wait3A_111 = tpu.memref_squeeze %dma_wait3A_110 : memref<1x125xi32, #tpu.memory_space<vmem>> -> memref<125xi32, #tpu.memory_space<vmem>>
    %dma_wait3A_112 = arith.constant 0 : i32
    %dma_wait3A_113 = arith.constant 0 : i32
    %dma_wait3A_114 = tpu.memref_slice %arg11[%dma_wait3A_112, %dma_wait3A_113] : memref<10240x128xf32, #tpu.memory_space<vmem_shared>> -> memref<10240x128xf32, #tpu.memory_space<vmem_shared>>
    tpu.wait_indirect_dma semaphore(%arg13 : memref<!tpu.dma_semaphore, #tpu.memory_space<semaphore_mem>>) src(%arg10 : memref<125x128xf32, #tpu.memory_space<vmem>>) dst(%dma_wait3A_114 : memref<10240x128xf32, #tpu.memory_space<vmem_shared>>)
    "tpu.region"() ({
      %run_scoped3A = tpu.sem_alloc : memref<!tpu.dma_semaphore, #tpu.memory_space<semaphore_mem>>
      %dma_start3A_233 = arith.constant 40 : i32
      %dma_start3A_234 = arith.constant 0 : i32
      %dma_start3A_235 = tpu.memref_slice %arg3[%arg0, %arg1, %dma_start3A_233, %dma_start3A_234] : memref<2x16x80x125xi32, #tpu.memory_space<hbm>> -> memref<1x1x40x125xi32, #tpu.memory_space<hbm>>
      %dma_start3A_236 = tpu.memref_squeeze %dma_start3A_235 : memref<1x1x40x125xi32, #tpu.memory_space<hbm>> -> memref<40x125xi32, #tpu.memory_space<hbm>>
      %dma_start3A_237 = arith.constant 40 : i32
      %dma_start3A_238 = arith.constant 0 : i32
      %dma_start3A_239 = tpu.memref_slice %arg3[%arg0, %arg1, %dma_start3A_237, %dma_start3A_238] : memref<2x16x80x125xi32, #tpu.memory_space<hbm>> -> memref<1x1x40x125xi32, #tpu.memory_space<hbm>>
      %dma_start3A_240 = tpu.memref_squeeze %dma_start3A_239 : memref<1x1x40x125xi32, #tpu.memory_space<hbm>> -> memref<40x125xi32, #tpu.memory_space<hbm>>
      tpu.enqueue_dma source(%dma_start3A_240 : memref<40x125xi32, #tpu.memory_space<hbm>>) target(%arg7 : memref<40x125xi32, #tpu.memory_space<vmem>>) target_semaphore(%run_scoped3A : memref<!tpu.dma_semaphore, #tpu.memory_space<semaphore_mem>>)
      %dma_wait3A_241 = arith.constant 40 : i32
      %dma_wait3A_242 = arith.constant 0 : i32
      %dma_wait3A_243 = tpu.memref_slice %arg3[%arg0, %arg1, %dma_wait3A_241, %dma_wait3A_242] : memref<2x16x80x125xi32, #tpu.memory_space<hbm>> -> memref<1x1x40x125xi32, #tpu.memory_space<hbm>>
      %dma_wait3A_244 = tpu.memref_squeeze %dma_wait3A_243 : memref<1x1x40x125xi32, #tpu.memory_space<hbm>> -> memref<40x125xi32, #tpu.memory_space<hbm>>
      %dma_wait3A_245 = arith.constant 40 : i32
      %dma_wait3A_246 = arith.constant 0 : i32
      %dma_wait3A_247 = tpu.memref_slice %arg3[%arg0, %arg1, %dma_wait3A_245, %dma_wait3A_246] : memref<2x16x80x125xi32, #tpu.memory_space<hbm>> -> memref<1x1x40x125xi32, #tpu.memory_space<hbm>>
      %dma_wait3A_248 = tpu.memref_squeeze %dma_wait3A_247 : memref<1x1x40x125xi32, #tpu.memory_space<hbm>> -> memref<40x125xi32, #tpu.memory_space<hbm>>
      tpu.wait_dma2 semaphore(%run_scoped3A : memref<!tpu.dma_semaphore, #tpu.memory_space<semaphore_mem>>) src(%dma_wait3A_248 : memref<40x125xi32, #tpu.memory_space<hbm>>) dst(%arg7 : memref<40x125xi32, #tpu.memory_space<vmem>>)
      tpu.yield
    }) : () -> ()
    "tpu.region"() ({
      %run_scoped3A = tpu.sem_alloc : memref<!tpu.dma_semaphore, #tpu.memory_space<semaphore_mem>>
      %dma_start3A_233 = arith.constant 40 : i32
      %dma_start3A_234 = arith.constant 0 : i32
      %dma_start3A_235 = tpu.memref_slice %arg4[%arg0, %arg1, %dma_start3A_233, %dma_start3A_234] : memref<2x16x80x125xi32, #tpu.memory_space<hbm>> -> memref<1x1x40x125xi32, #tpu.memory_space<hbm>>
      %dma_start3A_236 = tpu.memref_squeeze %dma_start3A_235 : memref<1x1x40x125xi32, #tpu.memory_space<hbm>> -> memref<40x125xi32, #tpu.memory_space<hbm>>
      %dma_start3A_237 = arith.constant 40 : i32
      %dma_start3A_238 = arith.constant 0 : i32
      %dma_start3A_239 = tpu.memref_slice %arg4[%arg0, %arg1, %dma_start3A_237, %dma_start3A_238] : memref<2x16x80x125xi32, #tpu.memory_space<hbm>> -> memref<1x1x40x125xi32, #tpu.memory_space<hbm>>
      %dma_start3A_240 = tpu.memref_squeeze %dma_start3A_239 : memref<1x1x40x125xi32, #tpu.memory_space<hbm>> -> memref<40x125xi32, #tpu.memory_space<hbm>>
      tpu.enqueue_dma source(%dma_start3A_240 : memref<40x125xi32, #tpu.memory_space<hbm>>) target(%arg8 : memref<40x125xi32, #tpu.memory_space<vmem>>) target_semaphore(%run_scoped3A : memref<!tpu.dma_semaphore, #tpu.memory_space<semaphore_mem>>)
      %dma_wait3A_241 = arith.constant 40 : i32
      %dma_wait3A_242 = arith.constant 0 : i32
      %dma_wait3A_243 = tpu.memref_slice %arg4[%arg0, %arg1, %dma_wait3A_241, %dma_wait3A_242] : memref<2x16x80x125xi32, #tpu.memory_space<hbm>> -> memref<1x1x40x125xi32, #tpu.memory_space<hbm>>
      %dma_wait3A_244 = tpu.memref_squeeze %dma_wait3A_243 : memref<1x1x40x125xi32, #tpu.memory_space<hbm>> -> memref<40x125xi32, #tpu.memory_space<hbm>>
      %dma_wait3A_245 = arith.constant 40 : i32
      %dma_wait3A_246 = arith.constant 0 : i32
      %dma_wait3A_247 = tpu.memref_slice %arg4[%arg0, %arg1, %dma_wait3A_245, %dma_wait3A_246] : memref<2x16x80x125xi32, #tpu.memory_space<hbm>> -> memref<1x1x40x125xi32, #tpu.memory_space<hbm>>
      %dma_wait3A_248 = tpu.memref_squeeze %dma_wait3A_247 : memref<1x1x40x125xi32, #tpu.memory_space<hbm>> -> memref<40x125xi32, #tpu.memory_space<hbm>>
      tpu.wait_dma2 semaphore(%run_scoped3A : memref<!tpu.dma_semaphore, #tpu.memory_space<semaphore_mem>>) src(%dma_wait3A_248 : memref<40x125xi32, #tpu.memory_space<hbm>>) dst(%arg8 : memref<40x125xi32, #tpu.memory_space<vmem>>)
      tpu.yield
    }) : () -> ()
    %dma_start3A_115 = arith.constant 0 : i32
    %dma_start3A_116 = arith.constant 0 : i32
    %dma_start3A_117 = tpu.memref_slice %arg7[%dma_start3A_115, %dma_start3A_116] : memref<40x125xi32, #tpu.memory_space<vmem>> -> memref<1x125xi32, #tpu.memory_space<vmem>>
    %dma_start3A_118 = tpu.memref_squeeze %dma_start3A_117 : memref<1x125xi32, #tpu.memory_space<vmem>> -> memref<125xi32, #tpu.memory_space<vmem>>
    %dma_start3A_119 = arith.constant 0 : i32
    %dma_start3A_120 = arith.constant 0 : i32
    %dma_start3A_121 = tpu.memref_slice %arg2[%dma_start3A_119, %dma_start3A_120] : memref<10000x128xf32, #tpu.memory_space<hbm>> -> memref<10000x128xf32, #tpu.memory_space<hbm>>
    tpu.enqueue_indirect_dma source(%dma_start3A_121 : memref<10000x128xf32, #tpu.memory_space<hbm>>) target(%arg9 : memref<125x128xf32, #tpu.memory_space<vmem>>) offsets(%dma_start3A_118 : memref<125xi32, #tpu.memory_space<vmem>>) semaphore(%arg12 : memref<!tpu.dma_semaphore, #tpu.memory_space<semaphore_mem>>)
    %dma_wait3A_122 = arith.constant 0 : i32
    %dma_wait3A_123 = arith.constant 0 : i32
    %dma_wait3A_124 = tpu.memref_slice %arg7[%dma_wait3A_122, %dma_wait3A_123] : memref<40x125xi32, #tpu.memory_space<vmem>> -> memref<1x125xi32, #tpu.memory_space<vmem>>
    %dma_wait3A_125 = tpu.memref_squeeze %dma_wait3A_124 : memref<1x125xi32, #tpu.memory_space<vmem>> -> memref<125xi32, #tpu.memory_space<vmem>>
    %dma_wait3A_126 = arith.constant 0 : i32
    %dma_wait3A_127 = arith.constant 0 : i32
    %dma_wait3A_128 = tpu.memref_slice %arg2[%dma_wait3A_126, %dma_wait3A_127] : memref<10000x128xf32, #tpu.memory_space<hbm>> -> memref<10000x128xf32, #tpu.memory_space<hbm>>
    tpu.wait_indirect_dma semaphore(%arg12 : memref<!tpu.dma_semaphore, #tpu.memory_space<semaphore_mem>>) src(%dma_wait3A_128 : memref<10000x128xf32, #tpu.memory_space<hbm>>) dst(%arg9 : memref<125x128xf32, #tpu.memory_space<vmem>>)
    %dma_start3A_129 = arith.constant 0 : i32
    %dma_start3A_130 = arith.constant 0 : i32
    %dma_start3A_131 = tpu.memref_slice %arg8[%dma_start3A_129, %dma_start3A_130] : memref<40x125xi32, #tpu.memory_space<vmem>> -> memref<1x125xi32, #tpu.memory_space<vmem>>
    %dma_start3A_132 = tpu.memref_squeeze %dma_start3A_131 : memref<1x125xi32, #tpu.memory_space<vmem>> -> memref<125xi32, #tpu.memory_space<vmem>>
    %dma_start3A_133 = arith.constant 0 : i32
    %dma_start3A_134 = arith.constant 0 : i32
    %dma_start3A_135 = tpu.memref_slice %arg11[%dma_start3A_133, %dma_start3A_134] : memref<10240x128xf32, #tpu.memory_space<vmem_shared>> -> memref<10240x128xf32, #tpu.memory_space<vmem_shared>>
    tpu.enqueue_indirect_dma source(%arg9 : memref<125x128xf32, #tpu.memory_space<vmem>>) target(%dma_start3A_135 : memref<10240x128xf32, #tpu.memory_space<vmem_shared>>) offsets(%dma_start3A_132 : memref<125xi32, #tpu.memory_space<vmem>>) semaphore(%arg13 : memref<!tpu.dma_semaphore, #tpu.memory_space<semaphore_mem>>) {add = true}
    %dma_start3A_136 = arith.constant 1 : i32
    %dma_start3A_137 = arith.constant 0 : i32
    %dma_start3A_138 = tpu.memref_slice %arg7[%dma_start3A_136, %dma_start3A_137] : memref<40x125xi32, #tpu.memory_space<vmem>> -> memref<1x125xi32, #tpu.memory_space<vmem>>
    %dma_start3A_139 = tpu.memref_squeeze %dma_start3A_138 : memref<1x125xi32, #tpu.memory_space<vmem>> -> memref<125xi32, #tpu.memory_space<vmem>>
    %dma_start3A_140 = arith.constant 0 : i32
    %dma_start3A_141 = arith.constant 0 : i32
    %dma_start3A_142 = tpu.memref_slice %arg2[%dma_start3A_140, %dma_start3A_141] : memref<10000x128xf32, #tpu.memory_space<hbm>> -> memref<10000x128xf32, #tpu.memory_space<hbm>>
    tpu.enqueue_indirect_dma source(%dma_start3A_142 : memref<10000x128xf32, #tpu.memory_space<hbm>>) target(%arg10 : memref<125x128xf32, #tpu.memory_space<vmem>>) offsets(%dma_start3A_139 : memref<125xi32, #tpu.memory_space<vmem>>) semaphore(%arg12 : memref<!tpu.dma_semaphore, #tpu.memory_space<semaphore_mem>>)
    %dma_wait3A_143 = arith.constant 1 : i32
    %dma_wait3A_144 = arith.constant 0 : i32
    %dma_wait3A_145 = tpu.memref_slice %arg7[%dma_wait3A_143, %dma_wait3A_144] : memref<40x125xi32, #tpu.memory_space<vmem>> -> memref<1x125xi32, #tpu.memory_space<vmem>>
    %dma_wait3A_146 = tpu.memref_squeeze %dma_wait3A_145 : memref<1x125xi32, #tpu.memory_space<vmem>> -> memref<125xi32, #tpu.memory_space<vmem>>
    %dma_wait3A_147 = arith.constant 0 : i32
    %dma_wait3A_148 = arith.constant 0 : i32
    %dma_wait3A_149 = tpu.memref_slice %arg2[%dma_wait3A_147, %dma_wait3A_148] : memref<10000x128xf32, #tpu.memory_space<hbm>> -> memref<10000x128xf32, #tpu.memory_space<hbm>>
    tpu.wait_indirect_dma semaphore(%arg12 : memref<!tpu.dma_semaphore, #tpu.memory_space<semaphore_mem>>) src(%dma_wait3A_149 : memref<10000x128xf32, #tpu.memory_space<hbm>>) dst(%arg10 : memref<125x128xf32, #tpu.memory_space<vmem>>)
    %dma_start3A_150 = arith.constant 1 : i32
    %dma_start3A_151 = arith.constant 0 : i32
    %dma_start3A_152 = tpu.memref_slice %arg8[%dma_start3A_150, %dma_start3A_151] : memref<40x125xi32, #tpu.memory_space<vmem>> -> memref<1x125xi32, #tpu.memory_space<vmem>>
    %dma_start3A_153 = tpu.memref_squeeze %dma_start3A_152 : memref<1x125xi32, #tpu.memory_space<vmem>> -> memref<125xi32, #tpu.memory_space<vmem>>
    %dma_start3A_154 = arith.constant 0 : i32
    %dma_start3A_155 = arith.constant 0 : i32
    %dma_start3A_156 = tpu.memref_slice %arg11[%dma_start3A_154, %dma_start3A_155] : memref<10240x128xf32, #tpu.memory_space<vmem_shared>> -> memref<10240x128xf32, #tpu.memory_space<vmem_shared>>
    tpu.enqueue_indirect_dma source(%arg10 : memref<125x128xf32, #tpu.memory_space<vmem>>) target(%dma_start3A_156 : memref<10240x128xf32, #tpu.memory_space<vmem_shared>>) offsets(%dma_start3A_153 : memref<125xi32, #tpu.memory_space<vmem>>) semaphore(%arg13 : memref<!tpu.dma_semaphore, #tpu.memory_space<semaphore_mem>>) {add = true}
    %dma_wait3A_157 = arith.constant 0 : i32
    %dma_wait3A_158 = arith.constant 0 : i32
    %dma_wait3A_159 = tpu.memref_slice %arg8[%dma_wait3A_157, %dma_wait3A_158] : memref<40x125xi32, #tpu.memory_space<vmem>> -> memref<1x125xi32, #tpu.memory_space<vmem>>
    %dma_wait3A_160 = tpu.memref_squeeze %dma_wait3A_159 : memref<1x125xi32, #tpu.memory_space<vmem>> -> memref<125xi32, #tpu.memory_space<vmem>>
    %dma_wait3A_161 = arith.constant 0 : i32
    %dma_wait3A_162 = arith.constant 0 : i32
    %dma_wait3A_163 = tpu.memref_slice %arg11[%dma_wait3A_161, %dma_wait3A_162] : memref<10240x128xf32, #tpu.memory_space<vmem_shared>> -> memref<10240x128xf32, #tpu.memory_space<vmem_shared>>
    tpu.wait_indirect_dma semaphore(%arg13 : memref<!tpu.dma_semaphore, #tpu.memory_space<semaphore_mem>>) src(%arg9 : memref<125x128xf32, #tpu.memory_space<vmem>>) dst(%dma_wait3A_163 : memref<10240x128xf32, #tpu.memory_space<vmem_shared>>)
    %dma_start3A_164 = arith.constant 2 : i32
    %dma_start3A_165 = arith.constant 0 : i32
    %dma_start3A_166 = tpu.memref_slice %arg7[%dma_start3A_164, %dma_start3A_165] : memref<40x125xi32, #tpu.memory_space<vmem>> -> memref<1x125xi32, #tpu.memory_space<vmem>>
    %dma_start3A_167 = tpu.memref_squeeze %dma_start3A_166 : memref<1x125xi32, #tpu.memory_space<vmem>> -> memref<125xi32, #tpu.memory_space<vmem>>
    %dma_start3A_168 = arith.constant 0 : i32
    %dma_start3A_169 = arith.constant 0 : i32
    %dma_start3A_170 = tpu.memref_slice %arg2[%dma_start3A_168, %dma_start3A_169] : memref<10000x128xf32, #tpu.memory_space<hbm>> -> memref<10000x128xf32, #tpu.memory_space<hbm>>
    tpu.enqueue_indirect_dma source(%dma_start3A_170 : memref<10000x128xf32, #tpu.memory_space<hbm>>) target(%arg9 : memref<125x128xf32, #tpu.memory_space<vmem>>) offsets(%dma_start3A_167 : memref<125xi32, #tpu.memory_space<vmem>>) semaphore(%arg12 : memref<!tpu.dma_semaphore, #tpu.memory_space<semaphore_mem>>)
    %scan3A_171 = arith.constant 0 : i32
    %scan3A_172 = arith.constant 18 : i32
    %scan3A_173 = arith.addi %scan3A_171, %scan3A_172 : i32
    %scan3A_174 = arith.constant 1 : i32
    scf.for %scan3A_233 = %scan3A_171 to %scan3A_173 step %scan3A_174  : i32 {
      %mul3A_234 = arith.constant 2 : i32
      %mul3A_235 = arith.muli %scan3A_233, %mul3A_234 : i32
      %add3A = arith.constant 2 : i32
      %add3A_236 = arith.addi %add3A, %mul3A_235 : i32
      %dma_wait3A_237 = arith.constant 0 : i32
      %dma_wait3A_238 = tpu.memref_slice %arg7[%add3A_236, %dma_wait3A_237] : memref<40x125xi32, #tpu.memory_space<vmem>> -> memref<1x125xi32, #tpu.memory_space<vmem>>
      %dma_wait3A_239 = tpu.memref_squeeze %dma_wait3A_238 : memref<1x125xi32, #tpu.memory_space<vmem>> -> memref<125xi32, #tpu.memory_space<vmem>>
      %dma_wait3A_240 = arith.constant 0 : i32
      %dma_wait3A_241 = arith.constant 0 : i32
      %dma_wait3A_242 = tpu.memref_slice %arg2[%dma_wait3A_240, %dma_wait3A_241] : memref<10000x128xf32, #tpu.memory_space<hbm>> -> memref<10000x128xf32, #tpu.memory_space<hbm>>
      tpu.wait_indirect_dma semaphore(%arg12 : memref<!tpu.dma_semaphore, #tpu.memory_space<semaphore_mem>>) src(%dma_wait3A_242 : memref<10000x128xf32, #tpu.memory_space<hbm>>) dst(%arg9 : memref<125x128xf32, #tpu.memory_space<vmem>>)
      %dma_start3A_243 = arith.constant 0 : i32
      %dma_start3A_244 = tpu.memref_slice %arg8[%add3A_236, %dma_start3A_243] : memref<40x125xi32, #tpu.memory_space<vmem>> -> memref<1x125xi32, #tpu.memory_space<vmem>>
      %dma_start3A_245 = tpu.memref_squeeze %dma_start3A_244 : memref<1x125xi32, #tpu.memory_space<vmem>> -> memref<125xi32, #tpu.memory_space<vmem>>
      %dma_start3A_246 = arith.constant 0 : i32
      %dma_start3A_247 = arith.constant 0 : i32
      %dma_start3A_248 = tpu.memref_slice %arg11[%dma_start3A_246, %dma_start3A_247] : memref<10240x128xf32, #tpu.memory_space<vmem_shared>> -> memref<10240x128xf32, #tpu.memory_space<vmem_shared>>
      tpu.enqueue_indirect_dma source(%arg9 : memref<125x128xf32, #tpu.memory_space<vmem>>) target(%dma_start3A_248 : memref<10240x128xf32, #tpu.memory_space<vmem_shared>>) offsets(%dma_start3A_245 : memref<125xi32, #tpu.memory_space<vmem>>) semaphore(%arg13 : memref<!tpu.dma_semaphore, #tpu.memory_space<semaphore_mem>>) {add = true}
      %sub3A = arith.constant 1 : i32
      %sub3A_249 = arith.subi %add3A_236, %sub3A : i32
      %dma_wait3A_250 = arith.constant 0 : i32
      %dma_wait3A_251 = tpu.memref_slice %arg8[%sub3A_249, %dma_wait3A_250] : memref<40x125xi32, #tpu.memory_space<vmem>> -> memref<1x125xi32, #tpu.memory_space<vmem>>
      %dma_wait3A_252 = tpu.memref_squeeze %dma_wait3A_251 : memref<1x125xi32, #tpu.memory_space<vmem>> -> memref<125xi32, #tpu.memory_space<vmem>>
      %dma_wait3A_253 = arith.constant 0 : i32
      %dma_wait3A_254 = arith.constant 0 : i32
      %dma_wait3A_255 = tpu.memref_slice %arg11[%dma_wait3A_253, %dma_wait3A_254] : memref<10240x128xf32, #tpu.memory_space<vmem_shared>> -> memref<10240x128xf32, #tpu.memory_space<vmem_shared>>
      tpu.wait_indirect_dma semaphore(%arg13 : memref<!tpu.dma_semaphore, #tpu.memory_space<semaphore_mem>>) src(%arg10 : memref<125x128xf32, #tpu.memory_space<vmem>>) dst(%dma_wait3A_255 : memref<10240x128xf32, #tpu.memory_space<vmem_shared>>)
      %add3A_256 = arith.constant 1 : i32
      %add3A_257 = arith.addi %add3A_236, %add3A_256 : i32
      %dma_start3A_258 = arith.constant 0 : i32
      %dma_start3A_259 = tpu.memref_slice %arg7[%add3A_257, %dma_start3A_258] : memref<40x125xi32, #tpu.memory_space<vmem>> -> memref<1x125xi32, #tpu.memory_space<vmem>>
      %dma_start3A_260 = tpu.memref_squeeze %dma_start3A_259 : memref<1x125xi32, #tpu.memory_space<vmem>> -> memref<125xi32, #tpu.memory_space<vmem>>
      %dma_start3A_261 = arith.constant 0 : i32
      %dma_start3A_262 = arith.constant 0 : i32
      %dma_start3A_263 = tpu.memref_slice %arg2[%dma_start3A_261, %dma_start3A_262] : memref<10000x128xf32, #tpu.memory_space<hbm>> -> memref<10000x128xf32, #tpu.memory_space<hbm>>
      tpu.enqueue_indirect_dma source(%dma_start3A_263 : memref<10000x128xf32, #tpu.memory_space<hbm>>) target(%arg10 : memref<125x128xf32, #tpu.memory_space<vmem>>) offsets(%dma_start3A_260 : memref<125xi32, #tpu.memory_space<vmem>>) semaphore(%arg12 : memref<!tpu.dma_semaphore, #tpu.memory_space<semaphore_mem>>)
      %add3A_264 = arith.constant 1 : i32
      %add3A_265 = arith.addi %add3A_236, %add3A_264 : i32
      %dma_wait3A_266 = arith.constant 0 : i32
      %dma_wait3A_267 = tpu.memref_slice %arg7[%add3A_265, %dma_wait3A_266] : memref<40x125xi32, #tpu.memory_space<vmem>> -> memref<1x125xi32, #tpu.memory_space<vmem>>
      %dma_wait3A_268 = tpu.memref_squeeze %dma_wait3A_267 : memref<1x125xi32, #tpu.memory_space<vmem>> -> memref<125xi32, #tpu.memory_space<vmem>>
      %dma_wait3A_269 = arith.constant 0 : i32
      %dma_wait3A_270 = arith.constant 0 : i32
      %dma_wait3A_271 = tpu.memref_slice %arg2[%dma_wait3A_269, %dma_wait3A_270] : memref<10000x128xf32, #tpu.memory_space<hbm>> -> memref<10000x128xf32, #tpu.memory_space<hbm>>
      tpu.wait_indirect_dma semaphore(%arg12 : memref<!tpu.dma_semaphore, #tpu.memory_space<semaphore_mem>>) src(%dma_wait3A_271 : memref<10000x128xf32, #tpu.memory_space<hbm>>) dst(%arg10 : memref<125x128xf32, #tpu.memory_space<vmem>>)
      %add3A_272 = arith.constant 1 : i32
      %add3A_273 = arith.addi %add3A_236, %add3A_272 : i32
      %dma_start3A_274 = arith.constant 0 : i32
      %dma_start3A_275 = tpu.memref_slice %arg8[%add3A_273, %dma_start3A_274] : memref<40x125xi32, #tpu.memory_space<vmem>> -> memref<1x125xi32, #tpu.memory_space<vmem>>
      %dma_start3A_276 = tpu.memref_squeeze %dma_start3A_275 : memref<1x125xi32, #tpu.memory_space<vmem>> -> memref<125xi32, #tpu.memory_space<vmem>>
      %dma_start3A_277 = arith.constant 0 : i32
      %dma_start3A_278 = arith.constant 0 : i32
      %dma_start3A_279 = tpu.memref_slice %arg11[%dma_start3A_277, %dma_start3A_278] : memref<10240x128xf32, #tpu.memory_space<vmem_shared>> -> memref<10240x128xf32, #tpu.memory_space<vmem_shared>>
      tpu.enqueue_indirect_dma source(%arg10 : memref<125x128xf32, #tpu.memory_space<vmem>>) target(%dma_start3A_279 : memref<10240x128xf32, #tpu.memory_space<vmem_shared>>) offsets(%dma_start3A_276 : memref<125xi32, #tpu.memory_space<vmem>>) semaphore(%arg13 : memref<!tpu.dma_semaphore, #tpu.memory_space<semaphore_mem>>) {add = true}
      %dma_wait3A_280 = arith.constant 0 : i32
      %dma_wait3A_281 = tpu.memref_slice %arg8[%add3A_236, %dma_wait3A_280] : memref<40x125xi32, #tpu.memory_space<vmem>> -> memref<1x125xi32, #tpu.memory_space<vmem>>
      %dma_wait3A_282 = tpu.memref_squeeze %dma_wait3A_281 : memref<1x125xi32, #tpu.memory_space<vmem>> -> memref<125xi32, #tpu.memory_space<vmem>>
      %dma_wait3A_283 = arith.constant 0 : i32
      %dma_wait3A_284 = arith.constant 0 : i32
      %dma_wait3A_285 = tpu.memref_slice %arg11[%dma_wait3A_283, %dma_wait3A_284] : memref<10240x128xf32, #tpu.memory_space<vmem_shared>> -> memref<10240x128xf32, #tpu.memory_space<vmem_shared>>
      tpu.wait_indirect_dma semaphore(%arg13 : memref<!tpu.dma_semaphore, #tpu.memory_space<semaphore_mem>>) src(%arg9 : memref<125x128xf32, #tpu.memory_space<vmem>>) dst(%dma_wait3A_285 : memref<10240x128xf32, #tpu.memory_space<vmem_shared>>)
      %add3A_286 = arith.constant 2 : i32
      %add3A_287 = arith.addi %add3A_236, %add3A_286 : i32
      %dma_start3A_288 = arith.constant 0 : i32
      %dma_start3A_289 = tpu.memref_slice %arg7[%add3A_287, %dma_start3A_288] : memref<40x125xi32, #tpu.memory_space<vmem>> -> memref<1x125xi32, #tpu.memory_space<vmem>>
      %dma_start3A_290 = tpu.memref_squeeze %dma_start3A_289 : memref<1x125xi32, #tpu.memory_space<vmem>> -> memref<125xi32, #tpu.memory_space<vmem>>
      %dma_start3A_291 = arith.constant 0 : i32
      %dma_start3A_292 = arith.constant 0 : i32
      %dma_start3A_293 = tpu.memref_slice %arg2[%dma_start3A_291, %dma_start3A_292] : memref<10000x128xf32, #tpu.memory_space<hbm>> -> memref<10000x128xf32, #tpu.memory_space<hbm>>
      tpu.enqueue_indirect_dma source(%dma_start3A_293 : memref<10000x128xf32, #tpu.memory_space<hbm>>) target(%arg9 : memref<125x128xf32, #tpu.memory_space<vmem>>) offsets(%dma_start3A_290 : memref<125xi32, #tpu.memory_space<vmem>>) semaphore(%arg12 : memref<!tpu.dma_semaphore, #tpu.memory_space<semaphore_mem>>)
    }
    %scan3A_175 = arith.constant 18 : i32
    %dma_wait3A_176 = arith.constant 38 : i32
    %dma_wait3A_177 = arith.constant 0 : i32
    %dma_wait3A_178 = tpu.memref_slice %arg7[%dma_wait3A_176, %dma_wait3A_177] : memref<40x125xi32, #tpu.memory_space<vmem>> -> memref<1x125xi32, #tpu.memory_space<vmem>>
    %dma_wait3A_179 = tpu.memref_squeeze %dma_wait3A_178 : memref<1x125xi32, #tpu.memory_space<vmem>> -> memref<125xi32, #tpu.memory_space<vmem>>
    %dma_wait3A_180 = arith.constant 0 : i32
    %dma_wait3A_181 = arith.constant 0 : i32
    %dma_wait3A_182 = tpu.memref_slice %arg2[%dma_wait3A_180, %dma_wait3A_181] : memref<10000x128xf32, #tpu.memory_space<hbm>> -> memref<10000x128xf32, #tpu.memory_space<hbm>>
    tpu.wait_indirect_dma semaphore(%arg12 : memref<!tpu.dma_semaphore, #tpu.memory_space<semaphore_mem>>) src(%dma_wait3A_182 : memref<10000x128xf32, #tpu.memory_space<hbm>>) dst(%arg9 : memref<125x128xf32, #tpu.memory_space<vmem>>)
    %dma_start3A_183 = arith.constant 38 : i32
    %dma_start3A_184 = arith.constant 0 : i32
    %dma_start3A_185 = tpu.memref_slice %arg8[%dma_start3A_183, %dma_start3A_184] : memref<40x125xi32, #tpu.memory_space<vmem>> -> memref<1x125xi32, #tpu.memory_space<vmem>>
    %dma_start3A_186 = tpu.memref_squeeze %dma_start3A_185 : memref<1x125xi32, #tpu.memory_space<vmem>> -> memref<125xi32, #tpu.memory_space<vmem>>
    %dma_start3A_187 = arith.constant 0 : i32
    %dma_start3A_188 = arith.constant 0 : i32
    %dma_start3A_189 = tpu.memref_slice %arg11[%dma_start3A_187, %dma_start3A_188] : memref<10240x128xf32, #tpu.memory_space<vmem_shared>> -> memref<10240x128xf32, #tpu.memory_space<vmem_shared>>
    tpu.enqueue_indirect_dma source(%arg9 : memref<125x128xf32, #tpu.memory_space<vmem>>) target(%dma_start3A_189 : memref<10240x128xf32, #tpu.memory_space<vmem_shared>>) offsets(%dma_start3A_186 : memref<125xi32, #tpu.memory_space<vmem>>) semaphore(%arg13 : memref<!tpu.dma_semaphore, #tpu.memory_space<semaphore_mem>>) {add = true}
    %dma_wait3A_190 = arith.constant 37 : i32
    %dma_wait3A_191 = arith.constant 0 : i32
    %dma_wait3A_192 = tpu.memref_slice %arg8[%dma_wait3A_190, %dma_wait3A_191] : memref<40x125xi32, #tpu.memory_space<vmem>> -> memref<1x125xi32, #tpu.memory_space<vmem>>
    %dma_wait3A_193 = tpu.memref_squeeze %dma_wait3A_192 : memref<1x125xi32, #tpu.memory_space<vmem>> -> memref<125xi32, #tpu.memory_space<vmem>>
    %dma_wait3A_194 = arith.constant 0 : i32
    %dma_wait3A_195 = arith.constant 0 : i32
    %dma_wait3A_196 = tpu.memref_slice %arg11[%dma_wait3A_194, %dma_wait3A_195] : memref<10240x128xf32, #tpu.memory_space<vmem_shared>> -> memref<10240x128xf32, #tpu.memory_space<vmem_shared>>
    tpu.wait_indirect_dma semaphore(%arg13 : memref<!tpu.dma_semaphore, #tpu.memory_space<semaphore_mem>>) src(%arg10 : memref<125x128xf32, #tpu.memory_space<vmem>>) dst(%dma_wait3A_196 : memref<10240x128xf32, #tpu.memory_space<vmem_shared>>)
    %dma_start3A_197 = arith.constant 39 : i32
    %dma_start3A_198 = arith.constant 0 : i32
    %dma_start3A_199 = tpu.memref_slice %arg7[%dma_start3A_197, %dma_start3A_198] : memref<40x125xi32, #tpu.memory_space<vmem>> -> memref<1x125xi32, #tpu.memory_space<vmem>>
    %dma_start3A_200 = tpu.memref_squeeze %dma_start3A_199 : memref<1x125xi32, #tpu.memory_space<vmem>> -> memref<125xi32, #tpu.memory_space<vmem>>
    %dma_start3A_201 = arith.constant 0 : i32
    %dma_start3A_202 = arith.constant 0 : i32
    %dma_start3A_203 = tpu.memref_slice %arg2[%dma_start3A_201, %dma_start3A_202] : memref<10000x128xf32, #tpu.memory_space<hbm>> -> memref<10000x128xf32, #tpu.memory_space<hbm>>
    tpu.enqueue_indirect_dma source(%dma_start3A_203 : memref<10000x128xf32, #tpu.memory_space<hbm>>) target(%arg10 : memref<125x128xf32, #tpu.memory_space<vmem>>) offsets(%dma_start3A_200 : memref<125xi32, #tpu.memory_space<vmem>>) semaphore(%arg12 : memref<!tpu.dma_semaphore, #tpu.memory_space<semaphore_mem>>)
    %dma_wait3A_204 = arith.constant 39 : i32
    %dma_wait3A_205 = arith.constant 0 : i32
    %dma_wait3A_206 = tpu.memref_slice %arg7[%dma_wait3A_204, %dma_wait3A_205] : memref<40x125xi32, #tpu.memory_space<vmem>> -> memref<1x125xi32, #tpu.memory_space<vmem>>
    %dma_wait3A_207 = tpu.memref_squeeze %dma_wait3A_206 : memref<1x125xi32, #tpu.memory_space<vmem>> -> memref<125xi32, #tpu.memory_space<vmem>>
    %dma_wait3A_208 = arith.constant 0 : i32
    %dma_wait3A_209 = arith.constant 0 : i32
    %dma_wait3A_210 = tpu.memref_slice %arg2[%dma_wait3A_208, %dma_wait3A_209] : memref<10000x128xf32, #tpu.memory_space<hbm>> -> memref<10000x128xf32, #tpu.memory_space<hbm>>
    tpu.wait_indirect_dma semaphore(%arg12 : memref<!tpu.dma_semaphore, #tpu.memory_space<semaphore_mem>>) src(%dma_wait3A_210 : memref<10000x128xf32, #tpu.memory_space<hbm>>) dst(%arg10 : memref<125x128xf32, #tpu.memory_space<vmem>>)
    %dma_start3A_211 = arith.constant 39 : i32
    %dma_start3A_212 = arith.constant 0 : i32
    %dma_start3A_213 = tpu.memref_slice %arg8[%dma_start3A_211, %dma_start3A_212] : memref<40x125xi32, #tpu.memory_space<vmem>> -> memref<1x125xi32, #tpu.memory_space<vmem>>
    %dma_start3A_214 = tpu.memref_squeeze %dma_start3A_213 : memref<1x125xi32, #tpu.memory_space<vmem>> -> memref<125xi32, #tpu.memory_space<vmem>>
    %dma_start3A_215 = arith.constant 0 : i32
    %dma_start3A_216 = arith.constant 0 : i32
    %dma_start3A_217 = tpu.memref_slice %arg11[%dma_start3A_215, %dma_start3A_216] : memref<10240x128xf32, #tpu.memory_space<vmem_shared>> -> memref<10240x128xf32, #tpu.memory_space<vmem_shared>>
    tpu.enqueue_indirect_dma source(%arg10 : memref<125x128xf32, #tpu.memory_space<vmem>>) target(%dma_start3A_217 : memref<10240x128xf32, #tpu.memory_space<vmem_shared>>) offsets(%dma_start3A_214 : memref<125xi32, #tpu.memory_space<vmem>>) semaphore(%arg13 : memref<!tpu.dma_semaphore, #tpu.memory_space<semaphore_mem>>) {add = true}
    %dma_wait3A_218 = arith.constant 38 : i32
    %dma_wait3A_219 = arith.constant 0 : i32
    %dma_wait3A_220 = tpu.memref_slice %arg8[%dma_wait3A_218, %dma_wait3A_219] : memref<40x125xi32, #tpu.memory_space<vmem>> -> memref<1x125xi32, #tpu.memory_space<vmem>>
    %dma_wait3A_221 = tpu.memref_squeeze %dma_wait3A_220 : memref<1x125xi32, #tpu.memory_space<vmem>> -> memref<125xi32, #tpu.memory_space<vmem>>
    %dma_wait3A_222 = arith.constant 0 : i32
    %dma_wait3A_223 = arith.constant 0 : i32
    %dma_wait3A_224 = tpu.memref_slice %arg11[%dma_wait3A_222, %dma_wait3A_223] : memref<10240x128xf32, #tpu.memory_space<vmem_shared>> -> memref<10240x128xf32, #tpu.memory_space<vmem_shared>>
    tpu.wait_indirect_dma semaphore(%arg13 : memref<!tpu.dma_semaphore, #tpu.memory_space<semaphore_mem>>) src(%arg9 : memref<125x128xf32, #tpu.memory_space<vmem>>) dst(%dma_wait3A_224 : memref<10240x128xf32, #tpu.memory_space<vmem_shared>>)
    %dma_wait3A_225 = arith.constant 39 : i32
    %dma_wait3A_226 = arith.constant 0 : i32
    %dma_wait3A_227 = tpu.memref_slice %arg8[%dma_wait3A_225, %dma_wait3A_226] : memref<40x125xi32, #tpu.memory_space<vmem>> -> memref<1x125xi32, #tpu.memory_space<vmem>>
    %dma_wait3A_228 = tpu.memref_squeeze %dma_wait3A_227 : memref<1x125xi32, #tpu.memory_space<vmem>> -> memref<125xi32, #tpu.memory_space<vmem>>
    %dma_wait3A_229 = arith.constant 0 : i32
    %dma_wait3A_230 = arith.constant 0 : i32
    %dma_wait3A_231 = tpu.memref_slice %arg11[%dma_wait3A_229, %dma_wait3A_230] : memref<10240x128xf32, #tpu.memory_space<vmem_shared>> -> memref<10240x128xf32, #tpu.memory_space<vmem_shared>>
    tpu.wait_indirect_dma semaphore(%arg13 : memref<!tpu.dma_semaphore, #tpu.memory_space<semaphore_mem>>) src(%arg10 : memref<125x128xf32, #tpu.memory_space<vmem>>) dst(%dma_wait3A_231 : memref<10240x128xf32, #tpu.memory_space<vmem_shared>>)
    %barrier3A_232 = arith.constant 0 : index
    tpu.barrier barrier_id(%barrier3A_232)
    "tpu.region"() ({
      %run_scoped3A = tpu.sem_alloc : memref<!tpu.dma_semaphore, #tpu.memory_space<semaphore_mem>>
      %dma_start3A_233 = arith.constant 0 : i32
      %dma_start3A_234 = tpu.memref_slice %arg6[%arg0, %mul3A_0, %dma_start3A_233] : memref<2x10240x128xf32, #tpu.memory_space<hbm>> -> memref<1x640x128xf32, #tpu.memory_space<hbm>>
      %dma_start3A_235 = tpu.memref_squeeze %dma_start3A_234 : memref<1x640x128xf32, #tpu.memory_space<hbm>> -> memref<640x128xf32, #tpu.memory_space<hbm>>
      %dma_start3A_236 = arith.constant 0 : i32
      %dma_start3A_237 = tpu.memref_slice %arg11[%mul3A_0, %dma_start3A_236] : memref<10240x128xf32, #tpu.memory_space<vmem_shared>> -> memref<640x128xf32, #tpu.memory_space<vmem_shared>>
      tpu.enqueue_dma source(%dma_start3A_237 : memref<640x128xf32, #tpu.memory_space<vmem_shared>>) target(%dma_start3A_235 : memref<640x128xf32, #tpu.memory_space<hbm>>) target_semaphore(%run_scoped3A : memref<!tpu.dma_semaphore, #tpu.memory_space<semaphore_mem>>)
      %dma_wait3A_238 = arith.constant 0 : i32
      %dma_wait3A_239 = tpu.memref_slice %arg6[%arg0, %mul3A_0, %dma_wait3A_238] : memref<2x10240x128xf32, #tpu.memory_space<hbm>> -> memref<1x640x128xf32, #tpu.memory_space<hbm>>
      %dma_wait3A_240 = tpu.memref_squeeze %dma_wait3A_239 : memref<1x640x128xf32, #tpu.memory_space<hbm>> -> memref<640x128xf32, #tpu.memory_space<hbm>>
      %dma_wait3A_241 = arith.constant 0 : i32
      %dma_wait3A_242 = tpu.memref_slice %arg11[%mul3A_0, %dma_wait3A_241] : memref<10240x128xf32, #tpu.memory_space<vmem_shared>> -> memref<640x128xf32, #tpu.memory_space<vmem_shared>>
      tpu.wait_dma2 semaphore(%run_scoped3A : memref<!tpu.dma_semaphore, #tpu.memory_space<semaphore_mem>>) src(%dma_wait3A_242 : memref<640x128xf32, #tpu.memory_space<vmem_shared>>) dst(%dma_wait3A_240 : memref<640x128xf32, #tpu.memory_space<hbm>>)
      tpu.yield
    }) : () -> ()
    return
  }
}

module attributes {stable_mosaic.version = 14 : i64} {
  func.func @_mm_body(%arg0: i32, %arg1: memref<2000x128xf32, #tpu.memory_space<vmem>>, %arg2: memref<128x128xf32, #tpu.memory_space<vmem>>, %arg3: memref<2000x128xf32, #tpu.memory_space<vmem>>) attributes {dimension_semantics = [#tpu.dimension_semantics<arbitrary>], iteration_bounds = array<i64: 5>, scalar_prefetch = 0 : i64, scratch_operands = 0 : i64, tpu.core_type = #tpu.core_type<tc>, window_params = [{transform_indices = @transform_0, window_bounds = array<i64: 2000, 128>}, {pipeline_mode = #tpu.pipeline_mode<synchronous>, transform_indices = @transform_1, window_bounds = array<i64: 128, 128>}, {transform_indices = @transform_2, window_bounds = array<i64: 2000, 128>}]} {
    %get3A = arith.constant 0 : index
    %get3A_0 = arith.constant 0 : index
    %get3A_1 = vector.load %arg1[%get3A, %get3A_0] : memref<2000x128xf32, #tpu.memory_space<vmem>>, vector<2000x128xf32>
    %get3A_2 = arith.constant 0 : index
    %get3A_3 = arith.constant 0 : index
    %get3A_4 = vector.load %arg2[%get3A_2, %get3A_3] : memref<128x128xf32, #tpu.memory_space<vmem>>, vector<128x128xf32>
    %dot_general3A = arith.constant dense<0.000000e+00> : vector<2000x128xf32>
    %dot_general3A_5 = tpu.matmul %get3A_1, %get3A_4, %dot_general3A {dimension_numbers = #tpu.dot_dimension_numbers<[1], [0], [0], [1], [0, 0, 1, 1], [], []>, transpose_lhs_hint = false} : vector<2000x128xf32>, vector<128x128xf32>, vector<2000x128xf32> -> vector<2000x128xf32>
    %swap3A = arith.constant 0 : index
    %swap3A_6 = arith.constant 0 : index
    %swap3A_7 = vector.load %arg3[%swap3A, %swap3A_6] : memref<2000x128xf32, #tpu.memory_space<vmem>>, vector<2000x128xf32>
    tpu.vector_store %arg3[%swap3A, %swap3A_6], %dot_general3A_5 {strides = array<i32>} : memref<2000x128xf32, #tpu.memory_space<vmem>>, vector<2000x128xf32>,
    return
  }
  func.func @transform_0(%arg0: i32) -> (i32, i32) {
    %c0_i32 = arith.constant 0 : i32
    %c0_i32_0 = arith.constant 0 : i32
    return %arg0, %c0_i32 : i32, i32
  }
  func.func @transform_1(%arg0: i32) -> (i32, i32) {
    %c0_i32 = arith.constant 0 : i32
    %c0_i32_0 = arith.constant 0 : i32
    %c0_i32_1 = arith.constant 0 : i32
    return %c0_i32, %c0_i32_0 : i32, i32
  }
  func.func @transform_2(%arg0: i32) -> (i32, i32) {
    %c0_i32 = arith.constant 0 : i32
    %c0_i32_0 = arith.constant 0 : i32
    return %arg0, %c0_i32 : i32, i32
  }
}

module attributes {stable_mosaic.version = 14 : i64} {
  func.func @_fused_body(%arg0: i32, %arg1: memref<1x1280x128xf32, #tpu.memory_space<vmem>>, %arg2: memref<1x1280x128xf32, #tpu.memory_space<vmem>>, %arg3: memref<8x128xf32, #tpu.memory_space<vmem>>, %arg4: memref<128x128xf32, #tpu.memory_space<vmem>>, %arg5: memref<1280x128xf32, #tpu.memory_space<vmem>>) attributes {dimension_semantics = [#tpu.dimension_semantics<arbitrary>], iteration_bounds = array<i64: 8>, scalar_prefetch = 0 : i64, scratch_operands = 0 : i64, tpu.core_type = #tpu.core_type<tc>, window_params = [{transform_indices = @transform_0, window_bounds = array<i64: 1, 1280, 128>}, {transform_indices = @transform_1, window_bounds = array<i64: 1, 1280, 128>}, {pipeline_mode = #tpu.pipeline_mode<synchronous>, transform_indices = @transform_2, window_bounds = array<i64: 8, 128>}, {pipeline_mode = #tpu.pipeline_mode<synchronous>, transform_indices = @transform_3, window_bounds = array<i64: 128, 128>}, {transform_indices = @transform_4, window_bounds = array<i64: 1280, 128>}]} {
    %get3A = arith.constant 0 : index
    %get3A_0 = arith.constant 0 : index
    %get3A_1 = arith.constant 0 : index
    %get3A_2 = vector.load %arg1[%get3A, %get3A_0, %get3A_1] : memref<1x1280x128xf32, #tpu.memory_space<vmem>>, vector<1x1280x128xf32>
    %get3A_3 = vector.shape_cast %get3A_2 : vector<1x1280x128xf32> to vector<1280x128xf32>
    %get3A_4 = arith.constant 0 : index
    %get3A_5 = arith.constant 0 : index
    %get3A_6 = arith.constant 0 : index
    %get3A_7 = vector.load %arg2[%get3A_4, %get3A_5, %get3A_6] : memref<1x1280x128xf32, #tpu.memory_space<vmem>>, vector<1x1280x128xf32>
    %get3A_8 = vector.shape_cast %get3A_7 : vector<1x1280x128xf32> to vector<1280x128xf32>
    %add3A = arith.addf %get3A_3, %get3A_8 : vector<1280x128xf32>
    %get3A_9 = arith.constant 0 : index
    %get3A_10 = arith.constant 0 : index
    %get3A_11 = vector.load %arg3[%get3A_9, %get3A_10] : memref<8x128xf32, #tpu.memory_space<vmem>>, vector<1x128xf32>
    %add3A_12 = vector.broadcast %get3A_11 : vector<1x128xf32> to vector<1280x128xf32>
    %add3A_13 = arith.addf %add3A, %add3A_12 : vector<1280x128xf32>
    %max3A = arith.constant 0.000000e+00 : f32
    %max3A_14 = vector.broadcast %max3A : f32 to vector<1280x128xf32>
    %max3A_15 = arith.maximumf %add3A_13, %max3A_14 : vector<1280x128xf32>
    %get3A_16 = arith.constant 0 : index
    %get3A_17 = arith.constant 0 : index
    %get3A_18 = vector.load %arg4[%get3A_16, %get3A_17] : memref<128x128xf32, #tpu.memory_space<vmem>>, vector<128x128xf32>
    %dot_general3A = arith.constant dense<0.000000e+00> : vector<1280x128xf32>
    %dot_general3A_19 = tpu.matmul %max3A_15, %get3A_18, %dot_general3A {dimension_numbers = #tpu.dot_dimension_numbers<[1], [0], [0], [1], [0, 0, 1, 1], [], []>, transpose_lhs_hint = false} : vector<1280x128xf32>, vector<128x128xf32>, vector<1280x128xf32> -> vector<1280x128xf32>
    %swap3A = arith.constant 0 : index
    %swap3A_20 = arith.constant 0 : index
    %swap3A_21 = vector.load %arg5[%swap3A, %swap3A_20] : memref<1280x128xf32, #tpu.memory_space<vmem>>, vector<1280x128xf32>
    tpu.vector_store %arg5[%swap3A, %swap3A_20], %dot_general3A_19 {strides = array<i32>} : memref<1280x128xf32, #tpu.memory_space<vmem>>, vector<1280x128xf32>,
    return
  }
  func.func @transform_0(%arg0: i32) -> (i32, i32, i32) {
    %c0_i32 = arith.constant 0 : i32
    %c0_i32_0 = arith.constant 0 : i32
    %c0_i32_1 = arith.constant 0 : i32
    return %c0_i32, %arg0, %c0_i32_0 : i32, i32, i32
  }
  func.func @transform_1(%arg0: i32) -> (i32, i32, i32) {
    %c1_i32 = arith.constant 1 : i32
    %c0_i32 = arith.constant 0 : i32
    %c0_i32_0 = arith.constant 0 : i32
    return %c1_i32, %arg0, %c0_i32 : i32, i32, i32
  }
  func.func @transform_2(%arg0: i32) -> (i32, i32) {
    %c0_i32 = arith.constant 0 : i32
    %c0_i32_0 = arith.constant 0 : i32
    %c0_i32_1 = arith.constant 0 : i32
    return %c0_i32, %c0_i32_0 : i32, i32
  }
  func.func @transform_3(%arg0: i32) -> (i32, i32) {
    %c0_i32 = arith.constant 0 : i32
    %c0_i32_0 = arith.constant 0 : i32
    %c0_i32_1 = arith.constant 0 : i32
    return %c0_i32, %c0_i32_0 : i32, i32
  }
  func.func @transform_4(%arg0: i32) -> (i32, i32) {
    %c0_i32 = arith.constant 0 : i32
    %c0_i32_0 = arith.constant 0 : i32
    return %arg0, %c0_i32 : i32, i32
  }
}

module attributes {stable_mosaic.version = 14 : i64} {
  func.func @_add_body(%arg0: i32, %arg1: memref<1x1000x128xf32, #tpu.memory_space<vmem>>, %arg2: memref<1x1000x128xf32, #tpu.memory_space<vmem>>, %arg3: memref<8x128xf32, #tpu.memory_space<vmem>>, %arg4: memref<1000x128xf32, #tpu.memory_space<vmem>>) attributes {dimension_semantics = [#tpu.dimension_semantics<arbitrary>], iteration_bounds = array<i64: 10>, scalar_prefetch = 0 : i64, scratch_operands = 0 : i64, tpu.core_type = #tpu.core_type<tc>, window_params = [{transform_indices = @transform_0, window_bounds = array<i64: 1, 1000, 128>}, {transform_indices = @transform_1, window_bounds = array<i64: 1, 1000, 128>}, {pipeline_mode = #tpu.pipeline_mode<synchronous>, transform_indices = @transform_2, window_bounds = array<i64: 8, 128>}, {transform_indices = @transform_3, window_bounds = array<i64: 1000, 128>}]} {
    %get3A = arith.constant 0 : index
    %get3A_0 = arith.constant 0 : index
    %get3A_1 = arith.constant 0 : index
    %get3A_2 = vector.load %arg1[%get3A, %get3A_0, %get3A_1] : memref<1x1000x128xf32, #tpu.memory_space<vmem>>, vector<1x1000x128xf32>
    %get3A_3 = vector.shape_cast %get3A_2 : vector<1x1000x128xf32> to vector<1000x128xf32>
    %get3A_4 = arith.constant 0 : index
    %get3A_5 = arith.constant 0 : index
    %get3A_6 = arith.constant 0 : index
    %get3A_7 = vector.load %arg2[%get3A_4, %get3A_5, %get3A_6] : memref<1x1000x128xf32, #tpu.memory_space<vmem>>, vector<1x1000x128xf32>
    %get3A_8 = vector.shape_cast %get3A_7 : vector<1x1000x128xf32> to vector<1000x128xf32>
    %add3A = arith.addf %get3A_3, %get3A_8 : vector<1000x128xf32>
    %get3A_9 = arith.constant 0 : index
    %get3A_10 = arith.constant 0 : index
    %get3A_11 = vector.load %arg3[%get3A_9, %get3A_10] : memref<8x128xf32, #tpu.memory_space<vmem>>, vector<1x128xf32>
    %add3A_12 = vector.broadcast %get3A_11 : vector<1x128xf32> to vector<1000x128xf32>
    %add3A_13 = arith.addf %add3A, %add3A_12 : vector<1000x128xf32>
    %swap3A = arith.constant 0 : index
    %swap3A_14 = arith.constant 0 : index
    %swap3A_15 = vector.load %arg4[%swap3A, %swap3A_14] : memref<1000x128xf32, #tpu.memory_space<vmem>>, vector<1000x128xf32>
    tpu.vector_store %arg4[%swap3A, %swap3A_14], %add3A_13 {strides = array<i32>} : memref<1000x128xf32, #tpu.memory_space<vmem>>, vector<1000x128xf32>,
    return
  }
  func.func @transform_0(%arg0: i32) -> (i32, i32, i32) {
    %c0_i32 = arith.constant 0 : i32
    %c0_i32_0 = arith.constant 0 : i32
    %c0_i32_1 = arith.constant 0 : i32
    return %c0_i32, %arg0, %c0_i32_0 : i32, i32, i32
  }
  func.func @transform_1(%arg0: i32) -> (i32, i32, i32) {
    %c1_i32 = arith.constant 1 : i32
    %c0_i32 = arith.constant 0 : i32
    %c0_i32_0 = arith.constant 0 : i32
    return %c1_i32, %arg0, %c0_i32 : i32, i32, i32
  }
  func.func @transform_2(%arg0: i32) -> (i32, i32) {
    %c0_i32 = arith.constant 0 : i32
    %c0_i32_0 = arith.constant 0 : i32
    %c0_i32_1 = arith.constant 0 : i32
    return %c0_i32, %c0_i32_0 : i32, i32
  }
  func.func @transform_3(%arg0: i32) -> (i32, i32) {
    %c0_i32 = arith.constant 0 : i32
    %c0_i32_0 = arith.constant 0 : i32
    return %arg0, %c0_i32 : i32, i32
  }
}

</mosaic_0001>

<sc_bundles>
// kernel: kernel.10.cloned.1.call-start
scs
__scs_entry_jumppad:
0x0: {  	(pc) =	sbr.rel $0x88, $3  }
0x1: {  	(tag) =	ssettag $0x0;
	lr =	simm.s32 $0x1  }
0x2: {  	[smem:$0x3F9B] =	sst lr;
	_ =	strace $0xD0000000  }
0x3: {  	_ = 	snop  }
0x4: {  	_ = 	snop  }
0x5: {  	_ = 	snop  }
0x6: {  	_ = 	snop  }
0x7: {  	_ = 	snop  }
__scs_overlays_trampoline_lowered:
0x8: {  	[smem:$0x3FAA] =	sst s0  }
0x9: {  	[smem:$0x3FAB] =	sst s1  }
0xa: {  	[smem:$0x3FAC] =	sst s2  }
0xb: {  	[smem:$0x3FAD] =	sst s3  }
0xc: {  	[smem:$0x3FAE] =	sst s4  }
0xd: {  	[smem:$0x3FAF] =	sst s5  }
0xe: {  	[smem:$0x3FB0] =	sst s6  }
0xf: {  	[smem:$0x3FB1] =	sst s7  }
0x10: {  	[smem:$0x3FB2] =	sst s8  }
0x11: {  	[smem:$0x3FB3] =	sst s9;
	s0 =	simm.s32 @!p0 $0x0  }
0x12: {  	s1 =	sld [smem:$0x3F99];
	s0 =	simm.s32 @p0 $0x1  }
0x13: {  	[smem:$0x3FB4] =	sst s0;
	s0 =	simm.s32 @!p1 $0x0  }
0x14: {  	s2 =	sld [smem:$0x3F98];
	s0 =	simm.s32 @p1 $0x1  }
0x15: {  	[smem:$0x3FB5] =	sst s0;
	s0 =	simm.s32 @!p2 $0x0  }
0x16: {  	s3 =	sld [smem:$0x3FDB];
	s0 =	simm.s32 @p2 $0x1  }
0x17: {  	s4 =	simm.s32 $0x1BF5;
	[smem:$0x3FB7] =	sst s0  }
0x18: {  	s0 =	sld [smem:$0x3F9A];
	_ =	swait.ge [sflag:s4], $0x0  }
0x19: {  	s7 =	sld [smem:$0x3F9B]  }
0x1a: {  	s8 =	sadd.s32 $0xFFFFE003, lr  }
0x1b: {  	s9 =	sadd.s32 $0xFFFFFEF7, lr;
	s5 =	simm.s32 $0xFFFFFFFF;
	p2 =	slt.u32 s8, $0xFFFFF086  }
0x1c: {  	p1 =	slt.u32 s9, $0xF7A;
	s5 =	simm.s32 @!p2 $0x0  }
0x1d: {  	s5 =	simm.s32 @p1 $0x1;
	p0 =	seq.s32 s7, s2  }
0x1e: {  	s7 =	smul.u32 @!p0 $0xF7A, s2;
	p2 =	seq.s32 @!p0 s5, $0x0  }
0x1f: {  	s9 =	smul.u32 $0xF7A, s1;
	s8 =	simm.s32 @!p0 $0x1BF5;
	p2 =	por !p2, p0  }
0x20: {  	[sflag:s8] =	ssyncset.s32 @!p0 $0xFFFFF086;
	s6 =	sadd.s32 @!p0 s3, s7;
	s7 =	simm.s32 @!p0 $0x108  }
0x21: {  	s3 =	sadd.s32 s3, s9;
	s6 =	sadd.s32 @!p0 $0x88, s6;
	s7 =	simm.s32 @p2 $0x1082  }
0x22: {  	[simem:s7], [sflag:s8] =	dma.local @!p0 [hbm:s6], $0xF7A  }
0x23: {  	s9 =	sor.u32 $0xD0000000, s2;
	s6 =	simm.s32 $0x108;
	_ =	swait.ge @!p0 [sflag:s8], $0x0  }
0x24: {  	s3 =	sadd.s32 $0x88, s3;
	s6 =	simm.s32 @!p1 $0x1082;
	[sflag:s4] =	ssyncset.s32 $0xFFFFF086  }
0x25: {  	[simem:s6], [sflag:s4] =	dma.local [hbm:s3], $0xF7A  }
0x26: {  	[smem:$0x3F9B] =	sst s1;
	(tag) =	ssettag s2;
	_ =	strace s9  }
0x27: {  	s1 =	sld [smem:$0x3FAB]  }
0x28: {  	s2 =	sld [smem:$0x3FAC]  }
0x29: {  	s4 =	sld [smem:$0x3FAE]  }
0x2a: {  	p0 =	seq.s32 s5, $0x0;
	s5 =	sld [smem:$0x3FAF]  }
0x2b: {  	s6 =	sld [smem:$0x3FB0]  }
0x2c: {  	s7 =	sld [smem:$0x3FB1]  }
0x2d: {  	s3 =	simm.s32 $0x108;
	s8 =	sld [smem:$0x3FB2]  }
0x2e: {  	s3 =	simm.s32 @!p0 $0x1082;
	s9 =	sld [smem:$0x3FB3]  }
0x2f: {  	lr =	sadd.s32 s0, s3;
	s0 =	sld [smem:$0x3FAA]  }
0x30: {  	s3 =	sld [smem:$0x3FAD]  }
0x31: {  	[smem:$0x3FB6] =	sst s10  }
0x32: {  	s10 =	sld [smem:$0x3FB4];
	_ =	sdelay $0x3  }
0x33: {  	p0 =	seq.s32 s10, $0x1;
	s10 =	sld [smem:$0x3FB6];
	_ =	sdelay $0x3  }
0x34: {  	[smem:$0x3FB6] =	sst s10  }
0x35: {  	s10 =	sld [smem:$0x3FB5];
	_ =	sdelay $0x3  }
0x36: {  	p1 =	seq.s32 s10, $0x1;
	s10 =	sld [smem:$0x3FB6];
	_ =	sdelay $0x3  }
0x37: {  	[smem:$0x3FB6] =	sst s10  }
0x38: {  	s10 =	sld [smem:$0x3FB7]  }
0x39: {  	_ = 	snop;
	(pc) =	sbr.ind lr, $3  }
0x3a: {  	_ = 	snop  }
0x3b: {  	_ = 	snop  }
0x3c: {  	p2 =	seq.s32 s10, $0x1;
	s10 =	sld [smem:$0x3FB6]  }
0x3d: {  	_ =	shalt  }
0x3e: {  	_ =	shalt  }
0x3f: {  	_ =	shalt  }
0x40: {  	_ =	shalt  }
0x41: {  	_ =	shalt  }
0x42: {  	_ =	shalt  }
0x43: {  	_ =	shalt  }
0x44: {  	_ =	shalt  }
0x45: {  	_ =	shalt  }
0x46: {  	_ =	shalt  }
0x47: {  	_ =	shalt  }
0x48: {  	_ =	shalt  }
0x49: {  	_ =	shalt  }
0x4a: {  	_ =	shalt  }
0x4b: {  	_ =	shalt  }
0x4c: {  	_ =	shalt  }
0x4d: {  	_ =	shalt  }
0x4e: {  	_ =	shalt  }
0x4f: {  	_ =	shalt  }
0x50: {  	_ =	shalt  }
0x51: {  	_ =	shalt  }
0x52: {  	_ =	shalt  }
0x53: {  	_ =	shalt  }
0x54: {  	_ =	shalt  }
0x55: {  	_ =	shalt  }
0x56: {  	_ =	shalt  }
0x57: {  	_ =	shalt  }
0x58: {  	_ =	shalt  }
0x59: {  	_ =	shalt  }
0x5a: {  	_ =	shalt  }
0x5b: {  	_ =	shalt  }
0x5c: {  	_ =	shalt  }
0x5d: {  	_ =	shalt  }
0x5e: {  	_ =	shalt  }
0x5f: {  	_ =	shalt  }
0x60: {  	_ =	shalt  }
0x61: {  	_ =	shalt  }
0x62: {  	_ =	shalt  }
0x63: {  	_ =	shalt  }
0x64: {  	_ =	shalt  }
0x65: {  	_ =	shalt  }
0x66: {  	_ =	shalt  }
0x67: {  	_ =	shalt  }
0x68: {  	_ =	shalt  }
0x69: {  	_ =	shalt  }
0x6a: {  	_ =	shalt  }
0x6b: {  	_ =	shalt  }
0x6c: {  	_ =	shalt  }
0x6d: {  	_ =	shalt  }
0x6e: {  	_ =	shalt  }
0x6f: {  	_ =	shalt  }
0x70: {  	_ =	shalt  }
0x71: {  	_ =	shalt  }
0x72: {  	_ =	shalt  }
0x73: {  	_ =	shalt  }
0x74: {  	_ =	shalt  }
0x75: {  	_ =	shalt  }
0x76: {  	_ =	shalt  }
0x77: {  	_ =	shalt  }
0x78: {  	_ =	shalt  }
0x79: {  	_ =	shalt  }
0x7a: {  	_ =	shalt  }
0x7b: {  	_ =	shalt  }
0x7c: {  	_ =	shalt  }
0x7d: {  	_ =	shalt  }
0x7e: {  	_ =	shalt  }
0x7f: {  	_ =	shalt  }
0x80: {  	_ =	shalt  }
0x81: {  	_ =	shalt  }
0x82: {  	_ =	shalt  }
0x83: {  	_ =	shalt  }
0x84: {  	_ =	shalt  }
0x85: {  	_ =	shalt  }
0x86: {  	_ =	shalt  }
0x87: {  	_ =	shalt  }
.Lfunc_end0:
.L_simem_size_0:
called_computation.1_lowered:
.L_overlay_start_0:
0x88: {  	s2 =	sld [smem:$0x3FD9]  }
0x89: {  	s3 =	sld [smem:$0x3FFE];
	_ =	sdelay $0x1  }
0x8a: {  	s1 =	srdreg.scid  }
0x8b: {  	s0 =	sand.u32 $0x1, s1  }
0x8c: {  	s16 =	sshll.u32 s0, $0xA;
	s2 =	sadd.s32 s3, s2  }
0x8d: {  	s2 =	sadd.s32 s2, s16  }
0x8e: {  	[smem:$0x3FC2] =	sst s2  }
0x8f: {  	_ = 	snop  }
0x90: {  	(tm) =	ssettm $0x1  }
0x91: {  	s17 =	sld [smem:$0x3FFB];
	_ =	sdelay $0x3  }
0x92: {  	_ =	strace s17  }
0x93: {  	s2 =	sld [smem:$0x3FFC];
	_ =	sdelay $0x3  }
0x94: {  	_ =	strace s2  }
0x95: {  	s2 =	sld [smem:$0x3FFD];
	_ =	sdelay $0x3  }
0x96: {  	_ =	strace s2  }
0x97: {  	_ =	strace $0x8FFFFFFF  }
0x98: {  	s18 =	sld [smem:$0x3FDB];
	_ =	sdelay $0x1  }
0x99: {  	s19 =	simm.s32 $_scs_section_size  }
0x9a: {  	s4 =	simm.s32 $_size__tile_overlayer_lowered;
	s5 =	simm.s32 $_tile_overlayer_lowered  }
0x9b: {  	s22 =	simm.s32 $0x1BFF;
	s21 =	sshll.u32 s5, $0x1;
	s2 =	sadd.s32 s19, s18  }
0x9c: {  	s6 =	simm.s32 $0x0;
	s20 =	sshll.u32 s4, $0x1;
	s4 =	sadd.s32 s21, s2  }
0x9d: {  	[timem:s6], [sflag:s22] =	dma.local [hbm:s4], s20  }
0x9e: {  	_ =	swait.ge [sflag:s22], s20  }
0x9f: {  	s3 =	ssub.s32 $0x0, s20;
	[sflag:s22] =	ssyncset.done $0x0  }
0xa0: {  	[sflag:s22] =	ssyncadd.s32 s3;
	_ =	sdelay $0x1  }
0xa1: {  	s23 =	simm.s32 $0x1B8B  }
0xa2: {  	_ =	swait.ge [sflag:s23], $0x1  }
0xa3: {  	[sflag:s23] =	ssyncset.done $0x0  }
0xa4: {  	s25 =	simm.s32 $0x1B8E;
	s24 =	sld [smem:$0x3FFE];
	[sflag:s23] =	ssyncadd.s32 $0xFFFFFFFF  }
0xa5: {  	s26 =	simm.s32 $execute0_lowered;
	[smem:$0x3FD2] =	sst s25  }
0xa6: {  	s4 =	sshll.u32 s26, $0x1;
	_ =	strace $0x80000049;
	[dreg:$0x1] =	wrdreg $0xFFFFFFFF  }
0xa7: {  	s28 =	simm.s32 $_size_execute0_lowered;
	s2 =	sadd.s32 s2, s4;
	[dreg:$0x0] =	wrdreg $0x0  }
0xa8: {  	s4 =	sshll.u32 s28, $0x1;
	[dreg:$0x2] =	wrdreg s2  }
0xa9: {  	[dreg:$0x3] =	wrdreg s4  }
0xaa: {  	[dreg:$0x4] =	wrdreg $0xC0  }
0xab: {  	_ =	task [dreg:s6], $0x5FFFF  }
0xac: {  	[dreg:$0x1] =	wrdreg $0xFFFFFFFF  }
0xad: {  	[dreg:$0x0] =	wrdreg $0x60  }
0xae: {  	[dreg:$0x2] =	wrdreg s24  }
0xaf: {  	[dreg:$0x3] =	wrdreg $0xA8000  }
0xb0: {  	[dreg:$0x4] =	wrdreg $0x9  }
0xb1: {  	_ =	task.clear_ibuf [dreg:s6], $0x5FFFF;
	_ =	strace $0x90000049  }
0xb2: {  	s29 =	simm.s32 $0x9;
	_ =	strace $0x8000004B  }
0xb3: {  	_ =	swait.ge [sflag:s29], $0x1  }
0xb4: {  	[sflag:s29] =	ssyncadd.s32 $0xFFFFFFFF  }
0xb5: {  	_ =	strace $0x9000004B  }
0xb6: {  	_ =	sfence  }
0xb7: {  	s30 =	sld [smem:$0x0];
	_ =	sdelay $0x2  }
0xb8: {  	s31 =	sshll.u32 s1, $0xD;
	s1 =	sshrl.u32 s1, $0x2  }
0xb9: {  	s3 =	sand.u32 $0x4000, s31;
	s1 =	sadd.s32 s1, s30  }
0xba: {  	s0 =	sor.u32 s3, s0;
	s1 =	sshll.u32 s1, $0x11  }
0xbb: {  	s0 =	sor.u32 s1, s0  }
0xbc: {  	s0 =	sadd.s32 $0x8F2B, s0  }
0xbd: {  	[sflag:s0] =	ssyncadd.remote.s32 $0x1  }
0xbe: {  	_ =	sfence.sel $0xFFFF  }
0xbf: {  	[dreg:$0x0] =	wrdreg $0xFFFFFFFF;
	(pc) =	sbr.abs _section_cstart, $3  }
0xc0: {  	[dreg:$0x1] =	wrdreg $0xFFFFFFFF  }
0xc1: {  	_ =	task.clear_ibuf [dreg:s6], $0x2FFFF;
	_ =	strace $0x9FFFFFFF  }
0xc2: {  	(tm) =	ssettm $0x7FFFFFFF  }
0xc3: {  	_ =	shalt  }
tec
execute0_lowered:
.L_overlay_start_1:
0x0: {  	(tag) =	ssettag $0x1  }
0x1: {  	s6 =	rddreg [dreg:$0x0]  }
0x2: {  	s1 =	rddreg [dreg:$0x1]  }
0x3: {  	s0 =	rddreg [dreg:$0x2];
	s2 =	simm.s32 $0x0  }
0x4: {  	s3 =	srdreg.scid;
	s16 =	simm.s32 $0x7D;
	s17 =	simm.s32 $0x2800  }
0x5: {  	s18 =	simm.s32 $0x1;
	s19 =	simm.s32 $0x80;
	s20 =	simm.s32 $0x6800  }
0x6: {  	s21 =	simm.s32 $0x1480;
	s22 =	simm.s32 $0x2;
	s23 =	simm.s32 $0x100  }
0x7: {  	s24 =	simm.s32 $0x2700;
	[smem:$0x7FF] =	sst s2;
	s7 =	sand.u32 $0x1, s3  }
0x8: {  	s28 =	simm.s32 $0x0;
	s3 =	stileid.u32;
	s8 =	smul.u32 $0x140000, s7  }
0x9: {  	s4 =	sadd.s32 $0x17A00, s6;
	s9 =	sadd.s32 $0x1200, s6;
	s10 =	smul.u32 $0x14000, s3  }
0xa: {  	s11 =	sadd.s32 $0xB200, s6;
	s5 =	sadd.s32 $0x15200, s6;
	s12 =	smul.u32 $0x28000, s7  }
0xb: {  	_ =	strace $0x8000004A;
	s7 =	ssub.s32 $0x2, s7;
	s25 =	smul.u32 $0x2800, s3  }
0xc: {  	s14 =	smul.u32 $0x50000, s3;
	s30 =	sshll.u32 s3, $0x6;
	s13 =	sshrl.u32 s7, $0x1  }
0xd: {  	s8 =	sadd.s32 s10, s8;
	s13 =	ssub.s32 s7, s13;
	s26 =	sadd.s32 s25, s12  }
0xe: {  	s29 =	sshrl.u32 s14, $0x2;
	s25 =	simm.s32 $0x1380;
	s8 =	sshrl.u32 s8, $0x3  }
0xf: {  	s10 =	sshrl.u32 s26, $0x3;
	s14 =	sadd.s32 s29, s1;
	s12 =	smax.u32 s13, $0x1  }
0x10: {  	s26 =	simm.s32 $0x2780;
	s15 =	sadd.s32 s8, s6;
	s6 =	sor.u32 $0x1C03, s30  }
0x11: {  	s31 =	sadd.s32 $0x280, s10;
	s7 =	sadd.s32 s9, s10;
	s8 =	sadd.s32 s11, s10  }
0x12: {  	s13 =	sshrl.u32 s14, $0x3;
	s14 =	simm.s32 $0x3;
	s9 =	sadd.s32 s9, s31  }
0x13: {  	s10 =	sadd.s32 s11, s31;
	s11 =	sadd.s32 $0x3FA00, s15;
	s15 =	simm.s32 $0x1400  }
.LBB2_1:
0x14: {  	[spmem:s13], [sflag:s6] =	dma.local [hbm:s5], $0x2800  }
0x15: {  	_ =	swait.ge [sflag:s14], $0x2800  }
0x16: {  	[sflag:s14] =	ssyncset.done $0x0  }
0x17: {  	[sflag:s14] =	ssyncadd.s32 $0xFFFFD800  }
0x18: {  	[tilespmem:s2], [sflag:$0x3] =	stream.linear.gather [hbm4b:s7+s2], $0x1400, $0x38;
	[tilespmem:$0x1E800] =	vst v63  }
0x19: {  	_ =	swait.ge [sflag:s14], $0x1400  }
0x1a: {  	[sflag:s14] =	ssyncset.done $0x0  }
0x1b: {  	[sflag:s14] =	ssyncadd.s32 $0xFFFFEC00  }
0x1c: {  	[tilespmem:s15], [sflag:$0x3] =	stream.linear.gather [hbm4b:s8+s2], $0x1400, $0x38;
	[tilespmem:$0x1E800] =	vst v63  }
0x1d: {  	_ =	swait.ge [sflag:s14], $0x1400  }
0x1e: {  	[sflag:s14] =	ssyncset.done $0x0  }
0x1f: {  	[sflag:s14] =	ssyncadd.s32 $0xFFFFEC00  }
0x20: {  	[bflag:$0x0] =	sbarrier.arrive $0xFFFF  }
0x21: {  	[tilespmem:s17], [sflag:$0x1] =	stream.indirect.gather [hbm4b:s4+s16], $0x80, s2, s16, $0xb8;
	[tilespmem:$0x1E800] =	vst v63  }
0x22: {  	_ =	swait.ge [sflag:s18], $0x3E80  }
0x23: {  	[sflag:s18] =	ssyncset.done $0x0  }
0x24: {  	[sflag:s18] =	ssyncadd.s32 $0xFFFFC180  }
0x25: {  	[spmem:s1] =	stream.indirect.scatter.add.f32 [tilespmem:s17], [sflag:$0x2], $0x80, s15, s16, $0xb8;
	[tilespmem:$0x1E800] =	vst v63  }
0x26: {  	_ = 	snop  }
0x27: {  	[tilespmem:s20], [sflag:$0x1] =	stream.indirect.gather [hbm4b:s4+s16], $0x80, s19, s16, $0xb8;
	[tilespmem:$0x1E800] =	vst v63  }
0x28: {  	_ =	swait.ge [sflag:s18], $0x3E80  }
0x29: {  	[sflag:s18] =	ssyncset.done $0x0  }
0x2a: {  	[sflag:s18] =	ssyncadd.s32 $0xFFFFC180  }
0x2b: {  	[spmem:s1] =	stream.indirect.scatter.add.f32 [tilespmem:s20], [sflag:$0x2], $0x80, s21, s16, $0xb8;
	[tilespmem:$0x1E800] =	vst v63  }
0x2c: {  	_ =	swait.ge [sflag:s22], $0x3E80  }
0x2d: {  	[sflag:s22] =	ssyncset.done $0x0  }
0x2e: {  	[sflag:s22] =	ssyncadd.s32 $0xFFFFC180  }
0x2f: {  	[tilespmem:s17], [sflag:$0x1] =	stream.indirect.gather [hbm4b:s4+s16], $0x80, s23, s16, $0xb8;
	[tilespmem:$0x1E800] =	vst v63  }
0x30: {  	_ =	swait.ge [sflag:s18], $0x3E80  }
0x31: {  	[sflag:s18] =	ssyncset.done $0x0  }
0x32: {  	s29 =	simm.s32 $0x1500;
	[sflag:s18] =	ssyncadd.s32 $0xFFFFC180  }
0x33: {  	[spmem:s1] =	stream.indirect.scatter.add.f32 [tilespmem:s17], [sflag:$0x2], $0x80, s29, s16, $0xb8;
	[tilespmem:$0x1E800] =	vst v63  }
0x34: {  	_ =	swait.ge [sflag:s22], $0x3E80  }
0x35: {  	[sflag:s22] =	ssyncset.done $0x0  }
0x36: {  	s29 =	simm.s32 $0x180;
	[sflag:s22] =	ssyncadd.s32 $0xFFFFC180  }
0x37: {  	[tilespmem:s20], [sflag:$0x1] =	stream.indirect.gather [hbm4b:s4+s16], $0x80, s29, s16, $0xb8;
	[tilespmem:$0x1E800] =	vst v63  }
0x38: {  	_ =	swait.ge [sflag:s18], $0x3E80  }
0x39: {  	[sflag:s18] =	ssyncset.done $0x0  }
0x3a: {  	s29 =	simm.s32 $0x1580;
	[sflag:s18] =	ssyncadd.s32 $0xFFFFC180  }
0x3b: {  	[spmem:s1] =	stream.indirect.scatter.add.f32 [tilespmem:s20], [sflag:$0x2], $0x80, s29, s16, $0xb8;
	[tilespmem:$0x1E800] =	vst v63  }
0x3c: {  	_ =	swait.ge [sflag:s22], $0x3E80  }
0x3d: {  	[sflag:s22] =	ssyncset.done $0x0  }
0x3e: {  	s30 =	simm.s32 $0x200;
	s29 =	simm.s32 $0xFFFFBC00;
	[sflag:s22] =	ssyncadd.s32 $0xFFFFC180  }
.LBB2_2:
0x3f: {  	[tilespmem:s17], [sflag:$0x1] =	stream.indirect.gather [hbm4b:s4+s16], $0x80, s30, s16, $0xb8;
	[tilespmem:$0x1E800] =	vst v63  }
0x40: {  	s30 =	smov.u32 s29  }
0x41: {  	p0 =	sne.s32 s29, $0xFFFFFC00;
	s29 =	sadd.s32 $0x400, s29;
	_ =	swait.ge [sflag:s18], $0x3E80  }
0x42: {  	s30 =	sshra.s32 s30, $0x2;
	[sflag:s18] =	ssyncset.done $0x0  }
0x43: {  	s31 =	sadd.s32 $0x2700, s30;
	[sflag:s18] =	ssyncadd.s32 $0xFFFFC180  }
0x44: {  	[spmem:s1] =	stream.indirect.scatter.add.f32 [tilespmem:s17], [sflag:$0x2], $0x80, s31, s16, $0xb8;
	[tilespmem:$0x1E800] =	vst v63  }
0x45: {  	_ =	swait.ge [sflag:s22], $0x3E80  }
0x46: {  	[sflag:s22] =	ssyncset.done $0x0  }
0x47: {  	s31 =	sadd.s32 $0x1380, s30;
	[sflag:s22] =	ssyncadd.s32 $0xFFFFC180  }
0x48: {  	[tilespmem:s20], [sflag:$0x1] =	stream.indirect.gather [hbm4b:s4+s16], $0x80, s31, s16, $0xb8;
	[tilespmem:$0x1E800] =	vst v63  }
0x49: {  	_ =	swait.ge [sflag:s18], $0x3E80  }
0x4a: {  	[sflag:s18] =	ssyncset.done $0x0  }
.Ltmp0:
0x4b: {  	s31 =	sadd.s32 $0x2780, s30;
	[sflag:s18] =	ssyncadd.s32 $0xFFFFC180;
	(pc) =	sbr.rel @p0 .LBB2_2-.Ltmp0, $4  }
0x4c: {  	[spmem:s1] =	stream.indirect.scatter.add.f32 [tilespmem:s20], [sflag:$0x2], $0x80, s31, s16, $0xb8;
	[tilespmem:$0x1E800] =	vst v63  }
0x4d: {  	_ =	swait.ge [sflag:s22], $0x3E80  }
0x4e: {  	[sflag:s22] =	ssyncset.done $0x0  }
0x4f: {  	s30 =	sadd.s32 $0x1400, s30;
	[sflag:s22] =	ssyncadd.s32 $0xFFFFC180  }
0x50: {  	[tilespmem:s17], [sflag:$0x1] =	stream.indirect.gather [hbm4b:s4+s16], $0x80, s30, s16, $0xb8;
	[tilespmem:$0x1E800] =	vst v63  }
0x51: {  	_ =	swait.ge [sflag:s18], $0x3E80  }
0x52: {  	[sflag:s18] =	ssyncset.done $0x0  }
0x53: {  	[sflag:s18] =	ssyncadd.s32 $0xFFFFC180  }
0x54: {  	[spmem:s1] =	stream.indirect.scatter.add.f32 [tilespmem:s17], [sflag:$0x2], $0x80, s24, s16, $0xb8;
	[tilespmem:$0x1E800] =	vst v63  }
0x55: {  	_ =	swait.ge [sflag:s22], $0x3E80  }
0x56: {  	[sflag:s22] =	ssyncset.done $0x0  }
0x57: {  	[sflag:s22] =	ssyncadd.s32 $0xFFFFC180  }
0x58: {  	[tilespmem:s20], [sflag:$0x1] =	stream.indirect.gather [hbm4b:s4+s16], $0x80, s25, s16, $0xb8;
	[tilespmem:$0x1E800] =	vst v63  }
0x59: {  	_ =	swait.ge [sflag:s18], $0x3E80  }
0x5a: {  	[sflag:s18] =	ssyncset.done $0x0  }
0x5b: {  	[sflag:s18] =	ssyncadd.s32 $0xFFFFC180  }
0x5c: {  	[spmem:s1] =	stream.indirect.scatter.add.f32 [tilespmem:s20], [sflag:$0x2], $0x80, s26, s16, $0xb8;
	[tilespmem:$0x1E800] =	vst v63  }
0x5d: {  	_ =	swait.ge [sflag:s22], $0x3E80  }
0x5e: {  	[sflag:s22] =	ssyncset.done $0x0  }
0x5f: {  	[sflag:s22] =	ssyncadd.s32 $0xFFFFC180  }
0x60: {  	_ =	swait.ge [sflag:s22], $0x3E80  }
0x61: {  	[sflag:s22] =	ssyncset.done $0x0  }
0x62: {  	[sflag:s22] =	ssyncadd.s32 $0xFFFFC180  }
0x63: {  	[tilespmem:s2], [sflag:$0x3] =	stream.linear.gather [hbm4b:s9+s2], $0x1400, $0x38;
	[tilespmem:$0x1E800] =	vst v63  }
0x64: {  	_ =	swait.ge [sflag:s14], $0x1400  }
0x65: {  	[sflag:s14] =	ssyncset.done $0x0  }
0x66: {  	[sflag:s14] =	ssyncadd.s32 $0xFFFFEC00  }
0x67: {  	[tilespmem:s15], [sflag:$0x3] =	stream.linear.gather [hbm4b:s10+s2], $0x1400, $0x38;
	[tilespmem:$0x1E800] =	vst v63  }
0x68: {  	_ =	swait.ge [sflag:s14], $0x1400  }
0x69: {  	[sflag:s14] =	ssyncset.done $0x0  }
0x6a: {  	[sflag:s14] =	ssyncadd.s32 $0xFFFFEC00  }
0x6b: {  	[tilespmem:s17], [sflag:$0x1] =	stream.indirect.gather [hbm4b:s4+s16], $0x80, s2, s16, $0xb8;
	[tilespmem:$0x1E800] =	vst v63  }
0x6c: {  	_ =	swait.ge [sflag:s18], $0x3E80  }
0x6d: {  	[sflag:s18] =	ssyncset.done $0x0  }
0x6e: {  	[sflag:s18] =	ssyncadd.s32 $0xFFFFC180  }
0x6f: {  	[spmem:s1] =	stream.indirect.scatter.add.f32 [tilespmem:s17], [sflag:$0x2], $0x80, s15, s16, $0xb8;
	[tilespmem:$0x1E800] =	vst v63  }
0x70: {  	_ = 	snop  }
0x71: {  	[tilespmem:s20], [sflag:$0x1] =	stream.indirect.gather [hbm4b:s4+s16], $0x80, s19, s16, $0xb8;
	[tilespmem:$0x1E800] =	vst v63  }
0x72: {  	_ =	swait.ge [sflag:s18], $0x3E80  }
0x73: {  	[sflag:s18] =	ssyncset.done $0x0  }
0x74: {  	[sflag:s18] =	ssyncadd.s32 $0xFFFFC180  }
0x75: {  	[spmem:s1] =	stream.indirect.scatter.add.f32 [tilespmem:s20], [sflag:$0x2], $0x80, s21, s16, $0xb8;
	[tilespmem:$0x1E800] =	vst v63  }
0x76: {  	_ =	swait.ge [sflag:s22], $0x3E80  }
0x77: {  	[sflag:s22] =	ssyncset.done $0x0  }
0x78: {  	[sflag:s22] =	ssyncadd.s32 $0xFFFFC180  }
0x79: {  	[tilespmem:s17], [sflag:$0x1] =	stream.indirect.gather [hbm4b:s4+s16], $0x80, s23, s16, $0xb8;
	[tilespmem:$0x1E800] =	vst v63  }
0x7a: {  	_ =	swait.ge [sflag:s18], $0x3E80  }
0x7b: {  	[sflag:s18] =	ssyncset.done $0x0  }
0x7c: {  	s29 =	simm.s32 $0x1500;
	[sflag:s18] =	ssyncadd.s32 $0xFFFFC180  }
0x7d: {  	[spmem:s1] =	stream.indirect.scatter.add.f32 [tilespmem:s17], [sflag:$0x2], $0x80, s29, s16, $0xb8;
	[tilespmem:$0x1E800] =	vst v63  }
0x7e: {  	_ =	swait.ge [sflag:s22], $0x3E80  }
0x7f: {  	[sflag:s22] =	ssyncset.done $0x0  }
0x80: {  	s29 =	simm.s32 $0x180;
	[sflag:s22] =	ssyncadd.s32 $0xFFFFC180  }
0x81: {  	[tilespmem:s20], [sflag:$0x1] =	stream.indirect.gather [hbm4b:s4+s16], $0x80, s29, s16, $0xb8;
	[tilespmem:$0x1E800] =	vst v63  }
0x82: {  	_ =	swait.ge [sflag:s18], $0x3E80  }
0x83: {  	[sflag:s18] =	ssyncset.done $0x0  }
0x84: {  	s29 =	simm.s32 $0x1580;
	[sflag:s18] =	ssyncadd.s32 $0xFFFFC180  }
0x85: {  	[spmem:s1] =	stream.indirect.scatter.add.f32 [tilespmem:s20], [sflag:$0x2], $0x80, s29, s16, $0xb8;
	[tilespmem:$0x1E800] =	vst v63  }
0x86: {  	_ =	swait.ge [sflag:s22], $0x3E80  }
0x87: {  	[sflag:s22] =	ssyncset.done $0x0  }
0x88: {  	s30 =	simm.s32 $0x200;
	s29 =	simm.s32 $0xFFFFBC00;
	[sflag:s22] =	ssyncadd.s32 $0xFFFFC180  }
.LBB2_4:
0x89: {  	[tilespmem:s17], [sflag:$0x1] =	stream.indirect.gather [hbm4b:s4+s16], $0x80, s30, s16, $0xb8;
	[tilespmem:$0x1E800] =	vst v63  }
0x8a: {  	s30 =	smov.u32 s29  }
0x8b: {  	p0 =	sne.s32 s29, $0xFFFFFC00;
	s29 =	sadd.s32 $0x400, s29;
	_ =	swait.ge [sflag:s18], $0x3E80  }
0x8c: {  	s30 =	sshra.s32 s30, $0x2;
	[sflag:s18] =	ssyncset.done $0x0  }
0x8d: {  	s31 =	sadd.s32 $0x2700, s30;
	[sflag:s18] =	ssyncadd.s32 $0xFFFFC180  }
0x8e: {  	[spmem:s1] =	stream.indirect.scatter.add.f32 [tilespmem:s17], [sflag:$0x2], $0x80, s31, s16, $0xb8;
	[tilespmem:$0x1E800] =	vst v63  }
0x8f: {  	_ =	swait.ge [sflag:s22], $0x3E80  }
0x90: {  	[sflag:s22] =	ssyncset.done $0x0  }
0x91: {  	s31 =	sadd.s32 $0x1380, s30;
	[sflag:s22] =	ssyncadd.s32 $0xFFFFC180  }
0x92: {  	[tilespmem:s20], [sflag:$0x1] =	stream.indirect.gather [hbm4b:s4+s16], $0x80, s31, s16, $0xb8;
	[tilespmem:$0x1E800] =	vst v63  }
0x93: {  	_ =	swait.ge [sflag:s18], $0x3E80  }
0x94: {  	[sflag:s18] =	ssyncset.done $0x0  }
.Ltmp1:
0x95: {  	s31 =	sadd.s32 $0x2780, s30;
	[sflag:s18] =	ssyncadd.s32 $0xFFFFC180;
	(pc) =	sbr.rel @p0 .LBB2_4-.Ltmp1, $4  }
0x96: {  	[spmem:s1] =	stream.indirect.scatter.add.f32 [tilespmem:s20], [sflag:$0x2], $0x80, s31, s16, $0xb8;
	[tilespmem:$0x1E800] =	vst v63  }
0x97: {  	_ =	swait.ge [sflag:s22], $0x3E80  }
0x98: {  	[sflag:s22] =	ssyncset.done $0x0  }
0x99: {  	s30 =	sadd.s32 $0x1400, s30;
	[sflag:s22] =	ssyncadd.s32 $0xFFFFC180  }
0x9a: {  	[tilespmem:s17], [sflag:$0x1] =	stream.indirect.gather [hbm4b:s4+s16], $0x80, s30, s16, $0xb8;
	[tilespmem:$0x1E800] =	vst v63  }
0x9b: {  	_ =	swait.ge [sflag:s18], $0x3E80  }
0x9c: {  	[sflag:s18] =	ssyncset.done $0x0  }
0x9d: {  	[sflag:s18] =	ssyncadd.s32 $0xFFFFC180  }
0x9e: {  	[spmem:s1] =	stream.indirect.scatter.add.f32 [tilespmem:s17], [sflag:$0x2], $0x80, s24, s16, $0xb8;
	[tilespmem:$0x1E800] =	vst v63  }
0x9f: {  	_ =	swait.ge [sflag:s22], $0x3E80  }
0xa0: {  	[sflag:s22] =	ssyncset.done $0x0  }
0xa1: {  	[sflag:s22] =	ssyncadd.s32 $0xFFFFC180  }
0xa2: {  	[tilespmem:s20], [sflag:$0x1] =	stream.indirect.gather [hbm4b:s4+s16], $0x80, s25, s16, $0xb8;
	[tilespmem:$0x1E800] =	vst v63  }
0xa3: {  	_ =	swait.ge [sflag:s18], $0x3E80  }
0xa4: {  	[sflag:s18] =	ssyncset.done $0x0  }
0xa5: {  	[sflag:s18] =	ssyncadd.s32 $0xFFFFC180  }
0xa6: {  	[spmem:s1] =	stream.indirect.scatter.add.f32 [tilespmem:s20], [sflag:$0x2], $0x80, s26, s16, $0xb8;
	[tilespmem:$0x1E800] =	vst v63  }
0xa7: {  	_ =	swait.ge [sflag:s22], $0x3E80  }
0xa8: {  	[sflag:s22] =	ssyncset.done $0x0  }
0xa9: {  	[sflag:s22] =	ssyncadd.s32 $0xFFFFC180  }
0xaa: {  	_ =	swait.ge [sflag:s22], $0x3E80  }
0xab: {  	s28 =	sadd.s32 $0x1, s28;
	[sflag:s22] =	ssyncset.done $0x0  }
0xac: {  	p0 =	sne.s32 s28, s12;
	[sflag:s22] =	ssyncadd.s32 $0xFFFFC180  }
.Ltmp2:
0xad: {  	[bflag:$0x0] =	sbarrier.arrive $0xFFFF;
	(pc) =	sbr.rel @p0 .LBB2_1-.Ltmp2, $4  }
0xae: {  	[hbm:s11], [sflag:s6] =	dma.local [spmem:s13], $0x2800  }
0xaf: {  	_ =	swait.ge [sflag:s14], $0x2800  }
0xb0: {  	[sflag:s14] =	ssyncset.done $0x0  }
0xb1: {  	[sflag:s14] =	ssyncadd.s32 $0xFFFFD800  }
0xb2: {  	_ =	sfence.sel $0x180000  }
0xb3: {  	[bflag:$0x0] =	sbarrier.arrive $0xFFFF  }
0xb4: {  	p0 =	sne.s32 s3, $0x0;
	_ =	strace $0x9000004A  }
0xb5: {  	s0 =	sadd.s32 @!p0 $0x100000, s0;
	[bflag:$0x2] =	sbarrier.arrive $0xFFFF  }
0xb6: {  	[sflag:s0] =	ssyncadd.tile.s32 @!p0 $0x1;
	_ =	shalt  }
.Lfunc_end2:
_tile_overlayer_lowered:
.L_overlay_start_2:
0xb7: {  	(tag) =	ssettag $0x2  }
0xb8: {  	s0 =	rddreg [dreg:$0x0];
	s2 =	stileid.u32  }
0xb9: {  	s1 =	rddreg [dreg:$0x1];
	p0 =	sne.s32 s2, $0x0  }
0xba: {  	s3 =	rddreg [dreg:$0x2];
	[bflag:$0x3] =	sbarrier.arrive $0xFFFF;
	s2 =	simm.s32 @!p0 $0x1C03  }
0xbb: {  	[timem:s3], [sflag:s2] =	dma.local @!p0 [hbm:s0], s1  }
0xbc: {  	s0 =	simm.s32 @!p0 $0x3  }
0xbd: {  	_ =	swait.ge @!p0 [sflag:s0], s1  }
0xbe: {  	s1 =	ssub.s32 @!p0 $0x0, s1;
	[sflag:s0] =	ssyncset.done @!p0 $0x0  }
0xbf: {  	[sflag:s0] =	ssyncadd.s32 @!p0 s1  }
0xc0: {  	[bflag:$0x3] =	sbarrier.arrive $0xFFFF  }
0xc1: {  	_ =	shalt  }

// kernel: kernel.7.cloned.1.call-start
scs
__scs_entry_jumppad:
0x0: {  	(pc) =	sbr.rel $0x88, $3  }
0x1: {  	(tag) =	ssettag $0x0;
	lr =	simm.s32 $0x1  }
0x2: {  	[smem:$0x3F9B] =	sst lr;
	_ =	strace $0xD0000000  }
0x3: {  	_ = 	snop  }
0x4: {  	_ = 	snop  }
0x5: {  	_ = 	snop  }
0x6: {  	_ = 	snop  }
0x7: {  	_ = 	snop  }
__scs_overlays_trampoline_lowered:
0x8: {  	[smem:$0x3FAA] =	sst s0  }
0x9: {  	[smem:$0x3FAB] =	sst s1  }
0xa: {  	[smem:$0x3FAC] =	sst s2  }
0xb: {  	[smem:$0x3FAD] =	sst s3  }
0xc: {  	[smem:$0x3FAE] =	sst s4  }
0xd: {  	[smem:$0x3FAF] =	sst s5  }
0xe: {  	[smem:$0x3FB0] =	sst s6  }
0xf: {  	[smem:$0x3FB1] =	sst s7  }
0x10: {  	[smem:$0x3FB2] =	sst s8  }
0x11: {  	[smem:$0x3FB3] =	sst s9;
	s0 =	simm.s32 @!p0 $0x0  }
0x12: {  	s1 =	sld [smem:$0x3F99];
	s0 =	simm.s32 @p0 $0x1  }
0x13: {  	[smem:$0x3FB4] =	sst s0;
	s0 =	simm.s32 @!p1 $0x0  }
0x14: {  	s2 =	sld [smem:$0x3F98];
	s0 =	simm.s32 @p1 $0x1  }
0x15: {  	[smem:$0x3FB5] =	sst s0;
	s0 =	simm.s32 @!p2 $0x0  }
0x16: {  	s3 =	sld [smem:$0x3FDB];
	s0 =	simm.s32 @p2 $0x1  }
0x17: {  	s4 =	simm.s32 $0x1BF5;
	[smem:$0x3FB7] =	sst s0  }
0x18: {  	s0 =	sld [smem:$0x3F9A];
	_ =	swait.ge [sflag:s4], $0x0  }
0x19: {  	s7 =	sld [smem:$0x3F9B]  }
0x1a: {  	s8 =	sadd.s32 $0xFFFFE003, lr  }
0x1b: {  	s9 =	sadd.s32 $0xFFFFFEF7, lr;
	s5 =	simm.s32 $0xFFFFFFFF;
	p2 =	slt.u32 s8, $0xFFFFF086  }
0x1c: {  	p1 =	slt.u32 s9, $0xF7A;
	s5 =	simm.s32 @!p2 $0x0  }
0x1d: {  	s5 =	simm.s32 @p1 $0x1;
	p0 =	seq.s32 s7, s2  }
0x1e: {  	s7 =	smul.u32 @!p0 $0xF7A, s2;
	p2 =	seq.s32 @!p0 s5, $0x0  }
0x1f: {  	s9 =	smul.u32 $0xF7A, s1;
	s8 =	simm.s32 @!p0 $0x1BF5;
	p2 =	por !p2, p0  }
0x20: {  	[sflag:s8] =	ssyncset.s32 @!p0 $0xFFFFF086;
	s6 =	sadd.s32 @!p0 s3, s7;
	s7 =	simm.s32 @!p0 $0x108  }
0x21: {  	s3 =	sadd.s32 s3, s9;
	s6 =	sadd.s32 @!p0 $0x88, s6;
	s7 =	simm.s32 @p2 $0x1082  }
0x22: {  	[simem:s7], [sflag:s8] =	dma.local @!p0 [hbm:s6], $0xF7A  }
0x23: {  	s9 =	sor.u32 $0xD0000000, s2;
	s6 =	simm.s32 $0x108;
	_ =	swait.ge @!p0 [sflag:s8], $0x0  }
0x24: {  	s3 =	sadd.s32 $0x88, s3;
	s6 =	simm.s32 @!p1 $0x1082;
	[sflag:s4] =	ssyncset.s32 $0xFFFFF086  }
0x25: {  	[simem:s6], [sflag:s4] =	dma.local [hbm:s3], $0xF7A  }
0x26: {  	[smem:$0x3F9B] =	sst s1;
	(tag) =	ssettag s2;
	_ =	strace s9  }
0x27: {  	s1 =	sld [smem:$0x3FAB]  }
0x28: {  	s2 =	sld [smem:$0x3FAC]  }
0x29: {  	s4 =	sld [smem:$0x3FAE]  }
0x2a: {  	p0 =	seq.s32 s5, $0x0;
	s5 =	sld [smem:$0x3FAF]  }
0x2b: {  	s6 =	sld [smem:$0x3FB0]  }
0x2c: {  	s7 =	sld [smem:$0x3FB1]  }
0x2d: {  	s3 =	simm.s32 $0x108;
	s8 =	sld [smem:$0x3FB2]  }
0x2e: {  	s3 =	simm.s32 @!p0 $0x1082;
	s9 =	sld [smem:$0x3FB3]  }
0x2f: {  	lr =	sadd.s32 s0, s3;
	s0 =	sld [smem:$0x3FAA]  }
0x30: {  	s3 =	sld [smem:$0x3FAD]  }
0x31: {  	[smem:$0x3FB6] =	sst s10  }
0x32: {  	s10 =	sld [smem:$0x3FB4];
	_ =	sdelay $0x3  }
0x33: {  	p0 =	seq.s32 s10, $0x1;
	s10 =	sld [smem:$0x3FB6];
	_ =	sdelay $0x3  }
0x34: {  	[smem:$0x3FB6] =	sst s10  }
0x35: {  	s10 =	sld [smem:$0x3FB5];
	_ =	sdelay $0x3  }
0x36: {  	p1 =	seq.s32 s10, $0x1;
	s10 =	sld [smem:$0x3FB6];
	_ =	sdelay $0x3  }
0x37: {  	[smem:$0x3FB6] =	sst s10  }
0x38: {  	s10 =	sld [smem:$0x3FB7]  }
0x39: {  	_ = 	snop;
	(pc) =	sbr.ind lr, $3  }
0x3a: {  	_ = 	snop  }
0x3b: {  	_ = 	snop  }
0x3c: {  	p2 =	seq.s32 s10, $0x1;
	s10 =	sld [smem:$0x3FB6]  }
0x3d: {  	_ =	shalt  }
0x3e: {  	_ =	shalt  }
0x3f: {  	_ =	shalt  }
0x40: {  	_ =	shalt  }
0x41: {  	_ =	shalt  }
0x42: {  	_ =	shalt  }
0x43: {  	_ =	shalt  }
0x44: {  	_ =	shalt  }
0x45: {  	_ =	shalt  }
0x46: {  	_ =	shalt  }
0x47: {  	_ =	shalt  }
0x48: {  	_ =	shalt  }
0x49: {  	_ =	shalt  }
0x4a: {  	_ =	shalt  }
0x4b: {  	_ =	shalt  }
0x4c: {  	_ =	shalt  }
0x4d: {  	_ =	shalt  }
0x4e: {  	_ =	shalt  }
0x4f: {  	_ =	shalt  }
0x50: {  	_ =	shalt  }
0x51: {  	_ =	shalt  }
0x52: {  	_ =	shalt  }
0x53: {  	_ =	shalt  }
0x54: {  	_ =	shalt  }
0x55: {  	_ =	shalt  }
0x56: {  	_ =	shalt  }
0x57: {  	_ =	shalt  }
0x58: {  	_ =	shalt  }
0x59: {  	_ =	shalt  }
0x5a: {  	_ =	shalt  }
0x5b: {  	_ =	shalt  }
0x5c: {  	_ =	shalt  }
0x5d: {  	_ =	shalt  }
0x5e: {  	_ =	shalt  }
0x5f: {  	_ =	shalt  }
0x60: {  	_ =	shalt  }
0x61: {  	_ =	shalt  }
0x62: {  	_ =	shalt  }
0x63: {  	_ =	shalt  }
0x64: {  	_ =	shalt  }
0x65: {  	_ =	shalt  }
0x66: {  	_ =	shalt  }
0x67: {  	_ =	shalt  }
0x68: {  	_ =	shalt  }
0x69: {  	_ =	shalt  }
0x6a: {  	_ =	shalt  }
0x6b: {  	_ =	shalt  }
0x6c: {  	_ =	shalt  }
0x6d: {  	_ =	shalt  }
0x6e: {  	_ =	shalt  }
0x6f: {  	_ =	shalt  }
0x70: {  	_ =	shalt  }
0x71: {  	_ =	shalt  }
0x72: {  	_ =	shalt  }
0x73: {  	_ =	shalt  }
0x74: {  	_ =	shalt  }
0x75: {  	_ =	shalt  }
0x76: {  	_ =	shalt  }
0x77: {  	_ =	shalt  }
0x78: {  	_ =	shalt  }
0x79: {  	_ =	shalt  }
0x7a: {  	_ =	shalt  }
0x7b: {  	_ =	shalt  }
0x7c: {  	_ =	shalt  }
0x7d: {  	_ =	shalt  }
0x7e: {  	_ =	shalt  }
0x7f: {  	_ =	shalt  }
0x80: {  	_ =	shalt  }
0x81: {  	_ =	shalt  }
0x82: {  	_ =	shalt  }
0x83: {  	_ =	shalt  }
0x84: {  	_ =	shalt  }
0x85: {  	_ =	shalt  }
0x86: {  	_ =	shalt  }
0x87: {  	_ =	shalt  }
.Lfunc_end0:
.L_simem_size_0:
called_computation_lowered:
.L_overlay_start_0:
0x88: {  	s2 =	sld [smem:$0x3FD9]  }
0x89: {  	s3 =	sld [smem:$0x3FFE];
	_ =	sdelay $0x1  }
0x8a: {  	s1 =	srdreg.scid  }
0x8b: {  	s0 =	sand.u32 $0x1, s1  }
0x8c: {  	s17 =	sshll.u32 s0, $0xA;
	s2 =	sadd.s32 s3, s2  }
0x8d: {  	s2 =	sadd.s32 s2, s17  }
0x8e: {  	[smem:$0x3FC2] =	sst s2  }
0x8f: {  	_ = 	snop  }
0x90: {  	s2 =	sld [smem:$0x3FD0];
	(tm) =	ssettm $0x1  }
0x91: {  	s18 =	sld [smem:$0x3FFB];
	_ =	sdelay $0x3  }
0x92: {  	_ =	strace s18  }
0x93: {  	s3 =	sld [smem:$0x3FFC];
	_ =	sdelay $0x3  }
0x94: {  	_ =	strace s3  }
0x95: {  	s3 =	sld [smem:$0x3FFD];
	_ =	sdelay $0x3  }
0x96: {  	_ =	strace s3  }
0x97: {  	_ =	strace $0x8FFFFFFF  }
0x98: {  	s19 =	sld [smem:$0x3FDB];
	_ =	sdelay $0x1  }
0x99: {  	s4 =	simm.s32 $_scs_section_size  }
0x9a: {  	s5 =	simm.s32 $_size__tile_overlayer_lowered;
	s6 =	simm.s32 $_tile_overlayer_lowered  }
0x9b: {  	s22 =	simm.s32 $0x1BFF;
	s21 =	sshll.u32 s6, $0x1;
	s3 =	sadd.s32 s4, s19  }
0x9c: {  	s7 =	simm.s32 $0x0;
	s20 =	sshll.u32 s5, $0x1;
	s5 =	sadd.s32 s21, s3  }
0x9d: {  	[timem:s7], [sflag:s22] =	dma.local [hbm:s5], s20  }
0x9e: {  	_ =	swait.ge [sflag:s22], s20  }
0x9f: {  	s4 =	ssub.s32 $0x0, s20;
	[sflag:s22] =	ssyncset.done $0x0  }
0xa0: {  	[sflag:s22] =	ssyncadd.s32 s4;
	_ =	sdelay $0x1  }
0xa1: {  	s23 =	simm.s32 $0x1B8B  }
0xa2: {  	_ =	swait.ge [sflag:s23], $0x1  }
0xa3: {  	[sflag:s23] =	ssyncset.done $0x0  }
0xa4: {  	s25 =	simm.s32 $0x1B8E;
	s24 =	sld [smem:$0x3FFE];
	[sflag:s23] =	ssyncadd.s32 $0xFFFFFFFF  }
0xa5: {  	s26 =	simm.s32 $execute0_lowered;
	[smem:$0x3FD2] =	sst s25  }
0xa6: {  	s5 =	sshll.u32 s26, $0x1;
	_ =	strace $0x80000046;
	[dreg:$0x1] =	wrdreg $0xFFFFFFFF  }
0xa7: {  	s28 =	simm.s32 $_size_execute0_lowered;
	s3 =	sadd.s32 s3, s5;
	[dreg:$0x0] =	wrdreg $0x0  }
0xa8: {  	s5 =	sshll.u32 s28, $0x1;
	[dreg:$0x2] =	wrdreg s3  }
0xa9: {  	[dreg:$0x3] =	wrdreg s5  }
0xaa: {  	[dreg:$0x4] =	wrdreg $0xC0  }
0xab: {  	_ =	task [dreg:s7], $0x5FFFF  }
0xac: {  	[dreg:$0x1] =	wrdreg $0xFFFFFFFF  }
0xad: {  	[dreg:$0x0] =	wrdreg $0x60  }
0xae: {  	[dreg:$0x2] =	wrdreg s2  }
0xaf: {  	[dreg:$0x3] =	wrdreg s24  }
0xb0: {  	[dreg:$0x4] =	wrdreg $0xA8000  }
0xb1: {  	[dreg:$0x5] =	wrdreg $0x9  }
0xb2: {  	_ =	task.clear_ibuf [dreg:s7], $0x6FFFF;
	_ =	strace $0x90000046  }
0xb3: {  	s29 =	simm.s32 $0x9;
	_ =	strace $0x80000048  }
0xb4: {  	_ =	swait.ge [sflag:s29], $0x1  }
0xb5: {  	[sflag:s29] =	ssyncadd.s32 $0xFFFFFFFF  }
0xb6: {  	_ =	strace $0x90000048  }
0xb7: {  	_ =	sfence  }
0xb8: {  	s30 =	sld [smem:$0x0];
	_ =	sdelay $0x2  }
0xb9: {  	s31 =	sshll.u32 s1, $0xD;
	s1 =	sshrl.u32 s1, $0x2  }
0xba: {  	s3 =	sand.u32 $0x4000, s31;
	s1 =	sadd.s32 s1, s30  }
0xbb: {  	s0 =	sor.u32 s3, s0;
	s1 =	sshll.u32 s1, $0x11  }
0xbc: {  	s0 =	sor.u32 s1, s0  }
0xbd: {  	s0 =	sadd.s32 $0x8F2B, s0  }
0xbe: {  	[sflag:s0] =	ssyncadd.remote.s32 $0x1  }
0xbf: {  	_ =	sfence.sel $0xFFFF  }
0xc0: {  	[dreg:$0x0] =	wrdreg $0xFFFFFFFF;
	(pc) =	sbr.abs _section_cstart, $3  }
0xc1: {  	[dreg:$0x1] =	wrdreg $0xFFFFFFFF  }
0xc2: {  	_ =	task.clear_ibuf [dreg:s7], $0x2FFFF;
	_ =	strace $0x9FFFFFFF  }
0xc3: {  	(tm) =	ssettm $0x7FFFFFFF  }
tec
execute0_lowered:
.L_overlay_start_1:
0x0: {  	(tag) =	ssettag $0x1  }
0x1: {  	s1 =	rddreg [dreg:$0x0]  }
0x2: {  	s6 =	rddreg [dreg:$0x1]  }
0x3: {  	s2 =	rddreg [dreg:$0x2]  }
0x4: {  	s0 =	rddreg [dreg:$0x3]  }
0x5: {  	s4 =	simm.s32 $0x0;
	s3 =	srdreg.scid;
	s16 =	simm.s32 $0x7D  }
0x6: {  	s17 =	simm.s32 $0x2800;
	s18 =	simm.s32 $0x1;
	s19 =	simm.s32 $0x80  }
0x7: {  	s20 =	simm.s32 $0x6800;
	s21 =	simm.s32 $0x1480;
	s22 =	simm.s32 $0x2  }
0x8: {  	s23 =	simm.s32 $0x100;
	s24 =	simm.s32 $0x2700;
	s7 =	sand.u32 $0x1, s3  }
0x9: {  	s28 =	simm.s32 $0x0;
	s3 =	stileid.u32;
	s8 =	smul.u32 $0x140000, s7  }
0xa: {  	[smem:$0x7FF] =	sst s4;
	s9 =	sadd.s32 $0x1200, s6;
	s10 =	smul.u32 $0x14000, s3  }
0xb: {  	s11 =	sadd.s32 $0xB200, s6;
	s5 =	sadd.s32 $0x15200, s6;
	s12 =	smul.u32 $0x28000, s7  }
0xc: {  	_ =	strace $0x80000047;
	s7 =	ssub.s32 $0x2, s7;
	s25 =	smul.u32 $0x2800, s3  }
0xd: {  	s14 =	smul.u32 $0x50000, s3;
	s30 =	sshll.u32 s3, $0x6;
	s13 =	sshrl.u32 s7, $0x1  }
0xe: {  	s8 =	sadd.s32 s10, s8;
	s13 =	ssub.s32 s7, s13;
	s26 =	sadd.s32 s25, s12  }
0xf: {  	s29 =	sshrl.u32 s14, $0x2;
	s25 =	simm.s32 $0x1380;
	s8 =	sshrl.u32 s8, $0x3  }
0x10: {  	s10 =	sshrl.u32 s26, $0x3;
	s14 =	sadd.s32 s29, s2;
	s12 =	smax.u32 s13, $0x1  }
0x11: {  	s26 =	simm.s32 $0x2780;
	s15 =	sadd.s32 s8, s6;
	s6 =	sor.u32 $0x1C03, s30  }
0x12: {  	s31 =	sadd.s32 $0x280, s10;
	s7 =	sadd.s32 s9, s10;
	s8 =	sadd.s32 s11, s10  }
0x13: {  	s13 =	sshrl.u32 s14, $0x3;
	s14 =	simm.s32 $0x3;
	s9 =	sadd.s32 s9, s31  }
0x14: {  	s10 =	sadd.s32 s11, s31;
	s11 =	sadd.s32 $0x17A00, s15;
	s15 =	simm.s32 $0x1400  }
.LBB2_1:
0x15: {  	[spmem:s13], [sflag:s6] =	dma.local [hbm:s5], $0x2800  }
0x16: {  	_ =	swait.ge [sflag:s14], $0x2800  }
0x17: {  	[sflag:s14] =	ssyncset.done $0x0  }
0x18: {  	[sflag:s14] =	ssyncadd.s32 $0xFFFFD800  }
0x19: {  	[tilespmem:s4], [sflag:$0x3] =	stream.linear.gather [hbm4b:s7+s4], $0x1400, $0x38;
	[tilespmem:$0x1E800] =	vst v63  }
0x1a: {  	_ =	swait.ge [sflag:s14], $0x1400  }
0x1b: {  	[sflag:s14] =	ssyncset.done $0x0  }
0x1c: {  	[sflag:s14] =	ssyncadd.s32 $0xFFFFEC00  }
0x1d: {  	[tilespmem:s15], [sflag:$0x3] =	stream.linear.gather [hbm4b:s8+s4], $0x1400, $0x38;
	[tilespmem:$0x1E800] =	vst v63  }
0x1e: {  	_ =	swait.ge [sflag:s14], $0x1400  }
0x1f: {  	[sflag:s14] =	ssyncset.done $0x0  }
0x20: {  	[sflag:s14] =	ssyncadd.s32 $0xFFFFEC00  }
0x21: {  	[bflag:$0x0] =	sbarrier.arrive $0xFFFF  }
0x22: {  	[tilespmem:s17], [sflag:$0x1] =	stream.indirect.gather [hbm4b:s1+s16], $0x80, s4, s16, $0xb8;
	[tilespmem:$0x1E800] =	vst v63  }
0x23: {  	_ =	swait.ge [sflag:s18], $0x3E80  }
0x24: {  	[sflag:s18] =	ssyncset.done $0x0  }
0x25: {  	[sflag:s18] =	ssyncadd.s32 $0xFFFFC180  }
0x26: {  	[spmem:s2] =	stream.indirect.scatter.add.f32 [tilespmem:s17], [sflag:$0x2], $0x80, s15, s16, $0xb8;
	[tilespmem:$0x1E800] =	vst v63  }
0x27: {  	_ = 	snop  }
0x28: {  	[tilespmem:s20], [sflag:$0x1] =	stream.indirect.gather [hbm4b:s1+s16], $0x80, s19, s16, $0xb8;
	[tilespmem:$0x1E800] =	vst v63  }
0x29: {  	_ =	swait.ge [sflag:s18], $0x3E80  }
0x2a: {  	[sflag:s18] =	ssyncset.done $0x0  }
0x2b: {  	[sflag:s18] =	ssyncadd.s32 $0xFFFFC180  }
0x2c: {  	[spmem:s2] =	stream.indirect.scatter.add.f32 [tilespmem:s20], [sflag:$0x2], $0x80, s21, s16, $0xb8;
	[tilespmem:$0x1E800] =	vst v63  }
0x2d: {  	_ =	swait.ge [sflag:s22], $0x3E80  }
0x2e: {  	[sflag:s22] =	ssyncset.done $0x0  }
0x2f: {  	[sflag:s22] =	ssyncadd.s32 $0xFFFFC180  }
0x30: {  	[tilespmem:s17], [sflag:$0x1] =	stream.indirect.gather [hbm4b:s1+s16], $0x80, s23, s16, $0xb8;
	[tilespmem:$0x1E800] =	vst v63  }
0x31: {  	_ =	swait.ge [sflag:s18], $0x3E80  }
0x32: {  	[sflag:s18] =	ssyncset.done $0x0  }
0x33: {  	s29 =	simm.s32 $0x1500;
	[sflag:s18] =	ssyncadd.s32 $0xFFFFC180  }
0x34: {  	[spmem:s2] =	stream.indirect.scatter.add.f32 [tilespmem:s17], [sflag:$0x2], $0x80, s29, s16, $0xb8;
	[tilespmem:$0x1E800] =	vst v63  }
0x35: {  	_ =	swait.ge [sflag:s22], $0x3E80  }
0x36: {  	[sflag:s22] =	ssyncset.done $0x0  }
0x37: {  	s29 =	simm.s32 $0x180;
	[sflag:s22] =	ssyncadd.s32 $0xFFFFC180  }
0x38: {  	[tilespmem:s20], [sflag:$0x1] =	stream.indirect.gather [hbm4b:s1+s16], $0x80, s29, s16, $0xb8;
	[tilespmem:$0x1E800] =	vst v63  }
0x39: {  	_ =	swait.ge [sflag:s18], $0x3E80  }
0x3a: {  	[sflag:s18] =	ssyncset.done $0x0  }
0x3b: {  	s29 =	simm.s32 $0x1580;
	[sflag:s18] =	ssyncadd.s32 $0xFFFFC180  }
0x3c: {  	[spmem:s2] =	stream.indirect.scatter.add.f32 [tilespmem:s20], [sflag:$0x2], $0x80, s29, s16, $0xb8;
	[tilespmem:$0x1E800] =	vst v63  }
0x3d: {  	_ =	swait.ge [sflag:s22], $0x3E80  }
0x3e: {  	[sflag:s22] =	ssyncset.done $0x0  }
0x3f: {  	s30 =	simm.s32 $0x200;
	s29 =	simm.s32 $0xFFFFBC00;
	[sflag:s22] =	ssyncadd.s32 $0xFFFFC180  }
.LBB2_2:
0x40: {  	[tilespmem:s17], [sflag:$0x1] =	stream.indirect.gather [hbm4b:s1+s16], $0x80, s30, s16, $0xb8;
	[tilespmem:$0x1E800] =	vst v63  }
0x41: {  	s30 =	smov.u32 s29  }
0x42: {  	p0 =	sne.s32 s29, $0xFFFFFC00;
	s29 =	sadd.s32 $0x400, s29;
	_ =	swait.ge [sflag:s18], $0x3E80  }
0x43: {  	s30 =	sshra.s32 s30, $0x2;
	[sflag:s18] =	ssyncset.done $0x0  }
0x44: {  	s31 =	sadd.s32 $0x2700, s30;
	[sflag:s18] =	ssyncadd.s32 $0xFFFFC180  }
0x45: {  	[spmem:s2] =	stream.indirect.scatter.add.f32 [tilespmem:s17], [sflag:$0x2], $0x80, s31, s16, $0xb8;
	[tilespmem:$0x1E800] =	vst v63  }
0x46: {  	_ =	swait.ge [sflag:s22], $0x3E80  }
0x47: {  	[sflag:s22] =	ssyncset.done $0x0  }
0x48: {  	s31 =	sadd.s32 $0x1380, s30;
	[sflag:s22] =	ssyncadd.s32 $0xFFFFC180  }
0x49: {  	[tilespmem:s20], [sflag:$0x1] =	stream.indirect.gather [hbm4b:s1+s16], $0x80, s31, s16, $0xb8;
	[tilespmem:$0x1E800] =	vst v63  }
0x4a: {  	_ =	swait.ge [sflag:s18], $0x3E80  }
0x4b: {  	[sflag:s18] =	ssyncset.done $0x0  }
.Ltmp0:
0x4c: {  	s31 =	sadd.s32 $0x2780, s30;
	[sflag:s18] =	ssyncadd.s32 $0xFFFFC180;
	(pc) =	sbr.rel @p0 .LBB2_2-.Ltmp0, $4  }
0x4d: {  	[spmem:s2] =	stream.indirect.scatter.add.f32 [tilespmem:s20], [sflag:$0x2], $0x80, s31, s16, $0xb8;
	[tilespmem:$0x1E800] =	vst v63  }
0x4e: {  	_ =	swait.ge [sflag:s22], $0x3E80  }
0x4f: {  	[sflag:s22] =	ssyncset.done $0x0  }
0x50: {  	s30 =	sadd.s32 $0x1400, s30;
	[sflag:s22] =	ssyncadd.s32 $0xFFFFC180  }
0x51: {  	[tilespmem:s17], [sflag:$0x1] =	stream.indirect.gather [hbm4b:s1+s16], $0x80, s30, s16, $0xb8;
	[tilespmem:$0x1E800] =	vst v63  }
0x52: {  	_ =	swait.ge [sflag:s18], $0x3E80  }
0x53: {  	[sflag:s18] =	ssyncset.done $0x0  }
0x54: {  	[sflag:s18] =	ssyncadd.s32 $0xFFFFC180  }
0x55: {  	[spmem:s2] =	stream.indirect.scatter.add.f32 [tilespmem:s17], [sflag:$0x2], $0x80, s24, s16, $0xb8;
	[tilespmem:$0x1E800] =	vst v63  }
0x56: {  	_ =	swait.ge [sflag:s22], $0x3E80  }
0x57: {  	[sflag:s22] =	ssyncset.done $0x0  }
0x58: {  	[sflag:s22] =	ssyncadd.s32 $0xFFFFC180  }
0x59: {  	[tilespmem:s20], [sflag:$0x1] =	stream.indirect.gather [hbm4b:s1+s16], $0x80, s25, s16, $0xb8;
	[tilespmem:$0x1E800] =	vst v63  }
0x5a: {  	_ =	swait.ge [sflag:s18], $0x3E80  }
0x5b: {  	[sflag:s18] =	ssyncset.done $0x0  }
0x5c: {  	[sflag:s18] =	ssyncadd.s32 $0xFFFFC180  }
0x5d: {  	[spmem:s2] =	stream.indirect.scatter.add.f32 [tilespmem:s20], [sflag:$0x2], $0x80, s26, s16, $0xb8;
	[tilespmem:$0x1E800] =	vst v63  }
0x5e: {  	_ =	swait.ge [sflag:s22], $0x3E80  }
0x5f: {  	[sflag:s22] =	ssyncset.done $0x0  }
0x60: {  	[sflag:s22] =	ssyncadd.s32 $0xFFFFC180  }
0x61: {  	_ =	swait.ge [sflag:s22], $0x3E80  }
0x62: {  	[sflag:s22] =	ssyncset.done $0x0  }
0x63: {  	[sflag:s22] =	ssyncadd.s32 $0xFFFFC180  }
0x64: {  	[tilespmem:s4], [sflag:$0x3] =	stream.linear.gather [hbm4b:s9+s4], $0x1400, $0x38;
	[tilespmem:$0x1E800] =	vst v63  }
0x65: {  	_ =	swait.ge [sflag:s14], $0x1400  }
0x66: {  	[sflag:s14] =	ssyncset.done $0x0  }
0x67: {  	[sflag:s14] =	ssyncadd.s32 $0xFFFFEC00  }
0x68: {  	[tilespmem:s15], [sflag:$0x3] =	stream.linear.gather [hbm4b:s10+s4], $0x1400, $0x38;
	[tilespmem:$0x1E800] =	vst v63  }
0x69: {  	_ =	swait.ge [sflag:s14], $0x1400  }
0x6a: {  	[sflag:s14] =	ssyncset.done $0x0  }
0x6b: {  	[sflag:s14] =	ssyncadd.s32 $0xFFFFEC00  }
0x6c: {  	[tilespmem:s17], [sflag:$0x1] =	stream.indirect.gather [hbm4b:s1+s16], $0x80, s4, s16, $0xb8;
	[tilespmem:$0x1E800] =	vst v63  }
0x6d: {  	_ =	swait.ge [sflag:s18], $0x3E80  }
0x6e: {  	[sflag:s18] =	ssyncset.done $0x0  }
0x6f: {  	[sflag:s18] =	ssyncadd.s32 $0xFFFFC180  }
0x70: {  	[spmem:s2] =	stream.indirect.scatter.add.f32 [tilespmem:s17], [sflag:$0x2], $0x80, s15, s16, $0xb8;
	[tilespmem:$0x1E800] =	vst v63  }
0x71: {  	_ = 	snop  }
0x72: {  	[tilespmem:s20], [sflag:$0x1] =	stream.indirect.gather [hbm4b:s1+s16], $0x80, s19, s16, $0xb8;
	[tilespmem:$0x1E800] =	vst v63  }
0x73: {  	_ =	swait.ge [sflag:s18], $0x3E80  }
0x74: {  	[sflag:s18] =	ssyncset.done $0x0  }
0x75: {  	[sflag:s18] =	ssyncadd.s32 $0xFFFFC180  }
0x76: {  	[spmem:s2] =	stream.indirect.scatter.add.f32 [tilespmem:s20], [sflag:$0x2], $0x80, s21, s16, $0xb8;
	[tilespmem:$0x1E800] =	vst v63  }
0x77: {  	_ =	swait.ge [sflag:s22], $0x3E80  }
0x78: {  	[sflag:s22] =	ssyncset.done $0x0  }
0x79: {  	[sflag:s22] =	ssyncadd.s32 $0xFFFFC180  }
0x7a: {  	[tilespmem:s17], [sflag:$0x1] =	stream.indirect.gather [hbm4b:s1+s16], $0x80, s23, s16, $0xb8;
	[tilespmem:$0x1E800] =	vst v63  }
0x7b: {  	_ =	swait.ge [sflag:s18], $0x3E80  }
0x7c: {  	[sflag:s18] =	ssyncset.done $0x0  }
0x7d: {  	s29 =	simm.s32 $0x1500;
	[sflag:s18] =	ssyncadd.s32 $0xFFFFC180  }
0x7e: {  	[spmem:s2] =	stream.indirect.scatter.add.f32 [tilespmem:s17], [sflag:$0x2], $0x80, s29, s16, $0xb8;
	[tilespmem:$0x1E800] =	vst v63  }
0x7f: {  	_ =	swait.ge [sflag:s22], $0x3E80  }
0x80: {  	[sflag:s22] =	ssyncset.done $0x0  }
0x81: {  	s29 =	simm.s32 $0x180;
	[sflag:s22] =	ssyncadd.s32 $0xFFFFC180  }
0x82: {  	[tilespmem:s20], [sflag:$0x1] =	stream.indirect.gather [hbm4b:s1+s16], $0x80, s29, s16, $0xb8;
	[tilespmem:$0x1E800] =	vst v63  }
0x83: {  	_ =	swait.ge [sflag:s18], $0x3E80  }
0x84: {  	[sflag:s18] =	ssyncset.done $0x0  }
0x85: {  	s29 =	simm.s32 $0x1580;
	[sflag:s18] =	ssyncadd.s32 $0xFFFFC180  }
0x86: {  	[spmem:s2] =	stream.indirect.scatter.add.f32 [tilespmem:s20], [sflag:$0x2], $0x80, s29, s16, $0xb8;
	[tilespmem:$0x1E800] =	vst v63  }
0x87: {  	_ =	swait.ge [sflag:s22], $0x3E80  }
0x88: {  	[sflag:s22] =	ssyncset.done $0x0  }
0x89: {  	s30 =	simm.s32 $0x200;
	s29 =	simm.s32 $0xFFFFBC00;
	[sflag:s22] =	ssyncadd.s32 $0xFFFFC180  }
.LBB2_4:
0x8a: {  	[tilespmem:s17], [sflag:$0x1] =	stream.indirect.gather [hbm4b:s1+s16], $0x80, s30, s16, $0xb8;
	[tilespmem:$0x1E800] =	vst v63  }
0x8b: {  	s30 =	smov.u32 s29  }
0x8c: {  	p0 =	sne.s32 s29, $0xFFFFFC00;
	s29 =	sadd.s32 $0x400, s29;
	_ =	swait.ge [sflag:s18], $0x3E80  }
0x8d: {  	s30 =	sshra.s32 s30, $0x2;
	[sflag:s18] =	ssyncset.done $0x0  }
0x8e: {  	s31 =	sadd.s32 $0x2700, s30;
	[sflag:s18] =	ssyncadd.s32 $0xFFFFC180  }
0x8f: {  	[spmem:s2] =	stream.indirect.scatter.add.f32 [tilespmem:s17], [sflag:$0x2], $0x80, s31, s16, $0xb8;
	[tilespmem:$0x1E800] =	vst v63  }
0x90: {  	_ =	swait.ge [sflag:s22], $0x3E80  }
0x91: {  	[sflag:s22] =	ssyncset.done $0x0  }
0x92: {  	s31 =	sadd.s32 $0x1380, s30;
	[sflag:s22] =	ssyncadd.s32 $0xFFFFC180  }
0x93: {  	[tilespmem:s20], [sflag:$0x1] =	stream.indirect.gather [hbm4b:s1+s16], $0x80, s31, s16, $0xb8;
	[tilespmem:$0x1E800] =	vst v63  }
0x94: {  	_ =	swait.ge [sflag:s18], $0x3E80  }
0x95: {  	[sflag:s18] =	ssyncset.done $0x0  }
.Ltmp1:
0x96: {  	s31 =	sadd.s32 $0x2780, s30;
	[sflag:s18] =	ssyncadd.s32 $0xFFFFC180;
	(pc) =	sbr.rel @p0 .LBB2_4-.Ltmp1, $4  }
0x97: {  	[spmem:s2] =	stream.indirect.scatter.add.f32 [tilespmem:s20], [sflag:$0x2], $0x80, s31, s16, $0xb8;
	[tilespmem:$0x1E800] =	vst v63  }
0x98: {  	_ =	swait.ge [sflag:s22], $0x3E80  }
0x99: {  	[sflag:s22] =	ssyncset.done $0x0  }
0x9a: {  	s30 =	sadd.s32 $0x1400, s30;
	[sflag:s22] =	ssyncadd.s32 $0xFFFFC180  }
0x9b: {  	[tilespmem:s17], [sflag:$0x1] =	stream.indirect.gather [hbm4b:s1+s16], $0x80, s30, s16, $0xb8;
	[tilespmem:$0x1E800] =	vst v63  }
0x9c: {  	_ =	swait.ge [sflag:s18], $0x3E80  }
0x9d: {  	[sflag:s18] =	ssyncset.done $0x0  }
0x9e: {  	[sflag:s18] =	ssyncadd.s32 $0xFFFFC180  }
0x9f: {  	[spmem:s2] =	stream.indirect.scatter.add.f32 [tilespmem:s17], [sflag:$0x2], $0x80, s24, s16, $0xb8;
	[tilespmem:$0x1E800] =	vst v63  }
0xa0: {  	_ =	swait.ge [sflag:s22], $0x3E80  }
0xa1: {  	[sflag:s22] =	ssyncset.done $0x0  }
0xa2: {  	[sflag:s22] =	ssyncadd.s32 $0xFFFFC180  }
0xa3: {  	[tilespmem:s20], [sflag:$0x1] =	stream.indirect.gather [hbm4b:s1+s16], $0x80, s25, s16, $0xb8;
	[tilespmem:$0x1E800] =	vst v63  }
0xa4: {  	_ =	swait.ge [sflag:s18], $0x3E80  }
0xa5: {  	[sflag:s18] =	ssyncset.done $0x0  }
0xa6: {  	[sflag:s18] =	ssyncadd.s32 $0xFFFFC180  }
0xa7: {  	[spmem:s2] =	stream.indirect.scatter.add.f32 [tilespmem:s20], [sflag:$0x2], $0x80, s26, s16, $0xb8;
	[tilespmem:$0x1E800] =	vst v63  }
0xa8: {  	_ =	swait.ge [sflag:s22], $0x3E80  }
0xa9: {  	[sflag:s22] =	ssyncset.done $0x0  }
0xaa: {  	[sflag:s22] =	ssyncadd.s32 $0xFFFFC180  }
0xab: {  	_ =	swait.ge [sflag:s22], $0x3E80  }
0xac: {  	s28 =	sadd.s32 $0x1, s28;
	[sflag:s22] =	ssyncset.done $0x0  }
0xad: {  	p0 =	sne.s32 s28, s12;
	[sflag:s22] =	ssyncadd.s32 $0xFFFFC180  }
.Ltmp2:
0xae: {  	[bflag:$0x0] =	sbarrier.arrive $0xFFFF;
	(pc) =	sbr.rel @p0 .LBB2_1-.Ltmp2, $4  }
0xaf: {  	[hbm:s11], [sflag:s6] =	dma.local [spmem:s13], $0x2800  }
0xb0: {  	_ =	swait.ge [sflag:s14], $0x2800  }
0xb1: {  	[sflag:s14] =	ssyncset.done $0x0  }
0xb2: {  	[sflag:s14] =	ssyncadd.s32 $0xFFFFD800  }
0xb3: {  	_ =	sfence.sel $0x180000  }
0xb4: {  	[bflag:$0x0] =	sbarrier.arrive $0xFFFF  }
0xb5: {  	p0 =	sne.s32 s3, $0x0;
	_ =	strace $0x90000047  }
0xb6: {  	s0 =	sadd.s32 @!p0 $0x100000, s0;
	[bflag:$0x2] =	sbarrier.arrive $0xFFFF  }
0xb7: {  	[sflag:s0] =	ssyncadd.tile.s32 @!p0 $0x1;
	_ =	shalt  }
.Lfunc_end2:
_tile_overlayer_lowered:
.L_overlay_start_2:
0xb8: {  	(tag) =	ssettag $0x2  }
0xb9: {  	s0 =	rddreg [dreg:$0x0];
	s2 =	stileid.u32  }
0xba: {  	s1 =	rddreg [dreg:$0x1];
	p0 =	sne.s32 s2, $0x0  }
0xbb: {  	s3 =	rddreg [dreg:$0x2];
	[bflag:$0x3] =	sbarrier.arrive $0xFFFF;
	s2 =	simm.s32 @!p0 $0x1C03  }
0xbc: {  	[timem:s3], [sflag:s2] =	dma.local @!p0 [hbm:s0], s1  }
0xbd: {  	s0 =	simm.s32 @!p0 $0x3  }
0xbe: {  	_ =	swait.ge @!p0 [sflag:s0], s1  }
0xbf: {  	s1 =	ssub.s32 @!p0 $0x0, s1;
	[sflag:s0] =	ssyncset.done @!p0 $0x0  }
0xc0: {  	[sflag:s0] =	ssyncadd.s32 @!p0 s1  }
0xc1: {  	[bflag:$0x3] =	sbarrier.arrive $0xFFFF  }
0xc2: {  	_ =	shalt  }

</sc_bundles>
